<compile_context>
chip_gen: v7x
topology: tpu7x:2x2x1
jax: 0.10.2.dev20260603
libtpu: 0.0.44.dev20260713+nightly
codegen_flags: <defaults>
</compile_context>

<pallas_src>
import functools

import jax
import jax.numpy as jnp
from jax import lax
from jax.experimental import pallas as pl
from jax.experimental.pallas import tpu as pltpu
from jax.experimental.pallas import tpu_sc as plsc

N = 10000
E = 160000
G = 8
NC = 2
NS = 16
EB = 128
DC = 128
C1 = 4
C2 = 8
NPAD = N + 16
RPT = 624
RTAIL = N - NS * RPT

NBUF = 2
GS = 16
S_AGG = GS * (-(-E // (NS * EB * GS)))
E_AGG = NS * S_AGG * EB
NGRP = S_AGG // GS
S_DEG = -(-E // (NC * NS * EB))
E_DEG = NC * NS * S_DEG * EB

RB = 1000
NB = N // RB

_MESH = plsc.VectorSubcoreMesh(core_axis_name="c", subcore_axis_name="s",
                               num_cores=NC, num_subcores=NS)



@functools.partial(
    pl.kernel,
    out_type=jax.ShapeDtypeStruct((NC * N, DC), jnp.float32),
    mesh=_MESH,
    scratch_types=[
        pltpu.VMEM_SHARED((NPAD, DC), jnp.float32),
        pltpu.VMEM((S_DEG, EB), jnp.int32),
        pltpu.VMEM((EB, DC), jnp.float32),
    ],
)
def _deg_kernel(dst_hbm, zeros_hbm, ones_hbm, out_hbm, acc, dst_v, ones_v):
    cid = lax.axis_index("c")
    sid = lax.axis_index("s")
    wid = cid * NS + sid
    pltpu.sync_copy(zeros_hbm.at[pl.ds(sid * RPT, RPT), :],
                    acc.at[pl.ds(sid * RPT, RPT), :])

    @pl.when(sid == 0)
    def _():
        tail = NPAD - NS * RPT
        pltpu.sync_copy(zeros_hbm.at[pl.ds(NS * RPT, tail), :],
                        acc.at[pl.ds(NS * RPT, tail), :])

    pltpu.sync_copy(ones_hbm, ones_v)
    pltpu.sync_copy(dst_hbm.at[wid], dst_v)
    plsc.subcore_barrier()

    def step(j, carry):
        pltpu.sync_copy(ones_v, acc.at[dst_v.at[j]], add=True)
        return carry

    lax.fori_loop(0, S_DEG, step, 0)
    plsc.subcore_barrier()
    pltpu.sync_copy(acc.at[pl.ds(sid * RPT, RPT), :],
                    out_hbm.at[pl.ds(cid * N + sid * RPT, RPT), :])

    @pl.when(sid == 0)
    def _():
        pltpu.sync_copy(acc.at[pl.ds(NS * RPT, RTAIL), :],
                        out_hbm.at[pl.ds(cid * N + NS * RPT, RTAIL), :])


def _make_agg(c_total):
    c_per_sc = c_total // NC

    @functools.partial(
        pl.kernel,
        out_type=jax.ShapeDtypeStruct((c_total * N, DC), jnp.float32),
        mesh=_MESH,
        scratch_types=[
            pltpu.VMEM_SHARED((NPAD, DC), jnp.float32),
            pltpu.VMEM((S_AGG, EB), jnp.int32),
            pltpu.VMEM((S_AGG, EB), jnp.int32),
            pltpu.VMEM((EB, DC), jnp.float32),
            pltpu.SemaphoreType.DMA,
        ],
    )
    def agg(table_hbm, srcg_hbm, dst_hbm, out_hbm, acc, src_v, dst_v, rows_v,
            sem):
        cid = lax.axis_index("c")
        sid = lax.axis_index("s")
        pltpu.sync_copy(dst_hbm.at[sid], dst_v)
        for kc in range(c_per_sc):
            c = cid * c_per_sc + kc
            base = c * N
            pltpu.sync_copy(table_hbm.at[pl.ds(base + sid * RPT, RPT), :],
                            acc.at[pl.ds(sid * RPT, RPT), :])

            @pl.when(sid == 0)
            def _():
                pltpu.sync_copy(table_hbm.at[pl.ds(base + NS * RPT, RTAIL), :],
                                acc.at[pl.ds(NS * RPT, RTAIL), :])

            pltpu.sync_copy(srcg_hbm.at[c * NS + sid], src_v)
            plsc.subcore_barrier()

            def step(j, carry):
                pltpu.async_copy(table_hbm.at[src_v.at[j]], rows_v,
                                 sem).wait()
                return carry

            lax.fori_loop(0, S_AGG, step, 0)
            plsc.subcore_barrier()
            pltpu.sync_copy(acc.at[pl.ds(sid * RPT, RPT), :],
                            out_hbm.at[pl.ds(base + sid * RPT, RPT), :])

            @pl.when(sid == 0)
            def _():
                pltpu.sync_copy(acc.at[pl.ds(NS * RPT, RTAIL), :],
                                out_hbm.at[pl.ds(base + NS * RPT, RTAIL), :])

            plsc.subcore_barrier()

    return agg


_agg1 = _make_agg(C1)
_agg2 = _make_agg(C2)



def _leaky(v):
    return jnp.where(v >= 0, v, 0.01 * v)


def _prep_body(x_ref, a_ref, degp_ref, xp_ref, dinv_ref):
    deg = 1.0 + degp_ref[0, :, 0:1] + degp_ref[1, :, 0:1]
    dinv = lax.rsqrt(deg)
    xin = jnp.concatenate([x_ref[...], a_ref[...]], axis=1) * dinv
    for c in range(C1):
        xp_ref[c] = xin[:, c * DC:(c + 1) * DC]
    dinv_ref[...] = jnp.broadcast_to(dinv, (RB, 16))


def _mid_body(z1_ref, dinv_ref, w1_ref, b1_ref, w2_ref, out_ref):
    dinv = dinv_ref[:, 0:1]
    u1 = jnp.concatenate([z1_ref[c] for c in range(C1)], axis=1) * dinv
    h1 = _leaky(jnp.dot(u1, w1_ref[...],
                        preferred_element_type=jnp.float32) + b1_ref[...])
    m2 = jnp.dot(h1, w2_ref[...], preferred_element_type=jnp.float32) * dinv
    for c in range(C2):
        out_ref[c] = m2[:, c * DC:(c + 1) * DC]


def _fin_body(z2_ref, dinv_ref, b2_ref, wo_ref, bo_ref, batch_ref, out_ref,
              sums_sc, cnts_sc):
    i = pl.program_id(0)

    @pl.when(i == 0)
    def _():
        sums_sc[...] = jnp.zeros_like(sums_sc)
        cnts_sc[...] = jnp.zeros_like(cnts_sc)

    dinv = dinv_ref[:, 0:1]
    u2 = jnp.concatenate([z2_ref[c] for c in range(C2)], axis=1) * dinv
    h2 = _leaky(u2 + b2_ref[...])
    h3 = _leaky(jnp.dot(h2, wo_ref[...],
                        preferred_element_type=jnp.float32) + bo_ref[...])
    b = batch_ref[0, 0, :]
    oh = (b[:, None] == jax.lax.broadcasted_iota(jnp.int32, (1, G), 1)
          ).astype(jnp.float32)
    sums_sc[...] += lax.dot_general(oh, h3, (((0,), (0,)), ((), ())),
                                    preferred_element_type=jnp.float32)
    cnts_sc[...] += jnp.broadcast_to(jnp.sum(oh, axis=0)[:, None], (G, 512))

    @pl.when(i == NB - 1)
    def _():
        out_ref[...] = sums_sc[...] / jnp.maximum(cnts_sc[...], 1.0)


def kernel(x, action, edge_index, batch, W1, b1, W2, b2, Wout, bout):
    f32 = jnp.float32
    src = edge_index[0].astype(jnp.int32)
    dst = edge_index[1].astype(jnp.int32)

    src_p = jnp.concatenate([src, jnp.zeros((E_AGG - E,), jnp.int32)])
    dst_p = jnp.concatenate([dst, jnp.full((E_DEG - E,), N, jnp.int32)])
    src_r = src_p.reshape(NS, S_AGG, EB)
    srcg = (src_r[None] + (jnp.arange(C2, dtype=jnp.int32) * N)[:, None, None,
                                                                None])
    srcg = srcg.reshape(C2 * NS, S_AGG, EB)
    dst_agg = dst_p[:E_AGG].reshape(NS, S_AGG, EB)
    dst_deg = dst_p.reshape(NC * NS, S_DEG, EB)
    srcg, dst_agg, dst_deg = lax.optimization_barrier((srcg, dst_agg,
                                                       dst_deg))

    degp = _deg_kernel(dst_deg, jnp.zeros((NPAD, DC), f32),
                       jnp.ones((EB, DC), f32))
    degp = degp.reshape(NC, N, DC)

    xp, dinv16 = pl.pallas_call(
        _prep_body,
        grid=(NB,),
        in_specs=[
            pl.BlockSpec((RB, 256), lambda i: (i, 0)),
            pl.BlockSpec((RB, 256), lambda i: (i, 0)),
            pl.BlockSpec((NC, RB, DC), lambda i: (0, i, 0)),
        ],
        out_specs=[
            pl.BlockSpec((C1, RB, DC), lambda i: (0, i, 0)),
            pl.BlockSpec((RB, 16), lambda i: (i, 0)),
        ],
        out_shape=[
            jax.ShapeDtypeStruct((C1, N, DC), f32),
            jax.ShapeDtypeStruct((N, 16), f32),
        ],
    )(x, action, degp)

    z1 = _agg1(xp.reshape(C1 * N, DC), srcg[:C1 * NS], dst_agg)

    h2p = pl.pallas_call(
        _mid_body,
        grid=(NB,),
        in_specs=[
            pl.BlockSpec((C1, RB, DC), lambda i: (0, i, 0)),
            pl.BlockSpec((RB, 16), lambda i: (i, 0)),
            pl.BlockSpec((512, 1024), lambda i: (0, 0)),
            pl.BlockSpec((1, 1024), lambda i: (0, 0)),
            pl.BlockSpec((1024, 1024), lambda i: (0, 0)),
        ],
        out_specs=pl.BlockSpec((C2, RB, DC), lambda i: (0, i, 0)),
        out_shape=jax.ShapeDtypeStruct((C2, N, DC), f32),
    )(z1.reshape(C1, N, DC), dinv16, W1, b1.reshape(1, 1024), W2)

    z2 = _agg2(h2p.reshape(C2 * N, DC), srcg, dst_agg)

    out = pl.pallas_call(
        _fin_body,
        grid=(NB,),
        in_specs=[
            pl.BlockSpec((C2, RB, DC), lambda i: (0, i, 0)),
            pl.BlockSpec((RB, 16), lambda i: (i, 0)),
            pl.BlockSpec((1, 1024), lambda i: (0, 0)),
            pl.BlockSpec((1024, 512), lambda i: (0, 0)),
            pl.BlockSpec((1, 512), lambda i: (0, 0)),
            pl.BlockSpec((1, 1, RB), lambda i: (i, 0, 0)),
        ],
        out_specs=pl.BlockSpec((G, 512), lambda i: (0, 0)),
        out_shape=jax.ShapeDtypeStruct((G, 512), f32),
        scratch_shapes=[
            pltpu.VMEM((G, 512), f32),
            pltpu.VMEM((G, 512), f32),
        ],
    )(z2.reshape(C2, N, DC), dinv16, b2.reshape(1, 1024), Wout,
      bout.reshape(1, 512), batch.reshape(NB, 1, RB).astype(jnp.int32))

    return out

# --- scband reference (transcript-rebuilt; emitter-appended) ---
"""Pipeline reference for scband-lite-cen-gnn-encoder-76948634075657 (READ-ONLY COPY).

The authoritative reference and input builder live on the scoring server;
editing this copy changes nothing except your own understanding.
"""

import jax, jax.numpy as jnp
import numpy as np

N = 10000
E = 160000
G = 8


def setup_inputs(seed: int = 0) -> dict:
    key = jax.random.key(seed)
    ks = jax.random.split(key, 12)
    x = jax.random.normal(ks[0], (N, 256), dtype=jnp.float32)
    action = jax.random.normal(ks[1], (N, 256), dtype=jnp.float32)
    edge_index = jax.random.randint(ks[2], (2, E), 0, N, dtype=jnp.int32)
    batch = jnp.sort(jax.random.randint(ks[3], (N,), 0, G, dtype=jnp.int32))
    W1 = jax.random.normal(ks[4], (512, 1024), dtype=jnp.float32) / jnp.sqrt(512.0)
    b1 = jnp.zeros((1024,), dtype=jnp.float32)
    W2 = jax.random.normal(ks[5], (1024, 1024), dtype=jnp.float32) / jnp.sqrt(1024.0)
    b2 = jnp.zeros((1024,), dtype=jnp.float32)
    Wout = jax.random.normal(ks[6], (1024, 512), dtype=jnp.float32) / jnp.sqrt(1024.0)
    bout = jnp.zeros((512,), dtype=jnp.float32)
    return {"x": x, "action": action, "edge_index": edge_index, "batch": batch,
            "W1": W1, "b1": b1, "W2": W2, "b2": b2, "Wout": Wout, "bout": bout}


def _gcn_conv(x, edge_index, W, b):
    # PyG GCNConv: add self-loops, symmetric normalization D^-1/2 (A+I) D^-1/2, then X W + b
    loop = jnp.arange(N, dtype=edge_index.dtype)
    src = jnp.concatenate([edge_index[0], loop])
    dst = jnp.concatenate([edge_index[1], loop])
    deg = jax.ops.segment_sum(jnp.ones(src.shape[0], dtype=x.dtype), dst, num_segments=N)
    dinv = jnp.where(deg > 0, 1.0 / jnp.sqrt(deg), 0.0)
    norm = dinv[src] * dinv[dst]
    h = x @ W
    msg = jnp.take(h, src, axis=0) * norm[:, None]
    out = jax.ops.segment_sum(msg, dst, num_segments=N)
    return out + b


def reference(x, action, edge_index, batch, W1, b1, W2, b2, Wout, bout):
    xin = jnp.concatenate([x, action], axis=1)  # [N, 512]
    h = jax.nn.leaky_relu(_gcn_conv(xin, edge_index, W1, b1))
    h = jax.nn.leaky_relu(_gcn_conv(h, edge_index, W2, b2))
    h = jax.nn.leaky_relu(h @ Wout + bout)
    sums = jax.ops.segment_sum(h, batch, num_segments=G)
    counts = jax.ops.segment_sum(jnp.ones((N,), dtype=h.dtype), batch, num_segments=G)
    return sums / jnp.maximum(counts, 1.0)[:, None]

if __name__ == "__main__":
    import jax
    _d = setup_inputs()
    print(jax.jit(kernel)(*tuple(_d.values())))

</pallas_src>

<mosaic_0001>
#map = affine_map<(d0, d1) -> (0, 0, 0)>
#map1 = affine_map<(d0, d1) -> (0, 0)>
module attributes {stable_mosaic.version = 14 : i64} {
  func.func @_deg_kernel(%arg0: i32, %arg1: i32, %arg2: memref<32x40x128xi32, #tpu.memory_space<hbm>>, %arg3: memref<10016x128xf32, #tpu.memory_space<hbm>>, %arg4: memref<128x128xf32, #tpu.memory_space<hbm>>, %arg5: memref<20000x128xf32, #tpu.memory_space<hbm>>, %arg6: memref<10016x128xf32, #tpu.memory_space<vmem_shared>>, %arg7: memref<40x128xi32, #tpu.memory_space<vmem>>, %arg8: memref<128x128xf32, #tpu.memory_space<vmem>>) attributes {dimension_semantics = [#tpu.dimension_semantics<core_parallel>, #tpu.dimension_semantics<subcore_parallel>], iteration_bounds = array<i64: 2, 16>, scalar_prefetch = 0 : i64, scratch_operands = 3 : i64, tpu.core_type = #tpu.core_type<sc_vector_subcore>, window_params = [{transform_indices = #map}, {transform_indices = #map1}, {transform_indices = #map1}, {transform_indices = #map1}]} {
    %mul3A = arith.constant 16 : i32
    %mul3A_0 = arith.muli %arg0, %mul3A : i32
    %add3A = arith.addi %mul3A_0, %arg1 : i32
    %mul3A_1 = arith.constant 624 : i32
    %mul3A_2 = arith.muli %arg1, %mul3A_1 : i32
    %mul3A_3 = arith.constant 624 : i32
    %mul3A_4 = arith.muli %arg1, %mul3A_3 : i32
    "tpu.region"() ({
      %run_scoped3A = tpu.sem_alloc : memref<!tpu.dma_semaphore, #tpu.memory_space<semaphore_mem>>
      %dma_start3A = arith.constant 0 : i32
      %dma_start3A_25 = tpu.memref_slice %arg6[%mul3A_4, %dma_start3A] : memref<10016x128xf32, #tpu.memory_space<vmem_shared>> -> memref<624x128xf32, #tpu.memory_space<vmem_shared>>
      %dma_start3A_26 = arith.constant 0 : i32
      %dma_start3A_27 = tpu.memref_slice %arg3[%mul3A_2, %dma_start3A_26] : memref<10016x128xf32, #tpu.memory_space<hbm>> -> memref<624x128xf32, #tpu.memory_space<hbm>>
      tpu.enqueue_dma source(%dma_start3A_27 : memref<624x128xf32, #tpu.memory_space<hbm>>) target(%dma_start3A_25 : memref<624x128xf32, #tpu.memory_space<vmem_shared>>) target_semaphore(%run_scoped3A : memref<!tpu.dma_semaphore, #tpu.memory_space<semaphore_mem>>)
      %dma_wait3A = arith.constant 0 : i32
      %dma_wait3A_28 = tpu.memref_slice %arg6[%mul3A_4, %dma_wait3A] : memref<10016x128xf32, #tpu.memory_space<vmem_shared>> -> memref<624x128xf32, #tpu.memory_space<vmem_shared>>
      %dma_wait3A_29 = arith.constant 0 : i32
      %dma_wait3A_30 = tpu.memref_slice %arg3[%mul3A_2, %dma_wait3A_29] : memref<10016x128xf32, #tpu.memory_space<hbm>> -> memref<624x128xf32, #tpu.memory_space<hbm>>
      tpu.wait_dma2 semaphore(%run_scoped3A : memref<!tpu.dma_semaphore, #tpu.memory_space<semaphore_mem>>) src(%dma_wait3A_30 : memref<624x128xf32, #tpu.memory_space<hbm>>) dst(%dma_wait3A_28 : memref<624x128xf32, #tpu.memory_space<vmem_shared>>)
      tpu.yield
    }) : () -> ()
    %eq3A = arith.constant 0 : i32
    %eq3A_5 = arith.cmpi eq, %arg1, %eq3A : i32
    %convert_element_type3A = arith.extui %eq3A_5 : i1 to i32
    %cond3A = arith.constant 0 : i32
    %cond3A_6 = arith.cmpi ne, %convert_element_type3A, %cond3A : i32
    scf.if %cond3A_6 {
      "tpu.region"() ({
        %run_scoped3A = tpu.sem_alloc : memref<!tpu.dma_semaphore, #tpu.memory_space<semaphore_mem>>
        %dma_start3A = arith.constant 9984 : i32
        %dma_start3A_25 = arith.constant 0 : i32
        %dma_start3A_26 = tpu.memref_slice %arg6[%dma_start3A, %dma_start3A_25] : memref<10016x128xf32, #tpu.memory_space<vmem_shared>> -> memref<32x128xf32, #tpu.memory_space<vmem_shared>>
        %dma_start3A_27 = arith.constant 9984 : i32
        %dma_start3A_28 = arith.constant 0 : i32
        %dma_start3A_29 = tpu.memref_slice %arg3[%dma_start3A_27, %dma_start3A_28] : memref<10016x128xf32, #tpu.memory_space<hbm>> -> memref<32x128xf32, #tpu.memory_space<hbm>>
        tpu.enqueue_dma source(%dma_start3A_29 : memref<32x128xf32, #tpu.memory_space<hbm>>) target(%dma_start3A_26 : memref<32x128xf32, #tpu.memory_space<vmem_shared>>) target_semaphore(%run_scoped3A : memref<!tpu.dma_semaphore, #tpu.memory_space<semaphore_mem>>)
        %dma_wait3A = arith.constant 9984 : i32
        %dma_wait3A_30 = arith.constant 0 : i32
        %dma_wait3A_31 = tpu.memref_slice %arg6[%dma_wait3A, %dma_wait3A_30] : memref<10016x128xf32, #tpu.memory_space<vmem_shared>> -> memref<32x128xf32, #tpu.memory_space<vmem_shared>>
        %dma_wait3A_32 = arith.constant 9984 : i32
        %dma_wait3A_33 = arith.constant 0 : i32
        %dma_wait3A_34 = tpu.memref_slice %arg3[%dma_wait3A_32, %dma_wait3A_33] : memref<10016x128xf32, #tpu.memory_space<hbm>> -> memref<32x128xf32, #tpu.memory_space<hbm>>
        tpu.wait_dma2 semaphore(%run_scoped3A : memref<!tpu.dma_semaphore, #tpu.memory_space<semaphore_mem>>) src(%dma_wait3A_34 : memref<32x128xf32, #tpu.memory_space<hbm>>) dst(%dma_wait3A_31 : memref<32x128xf32, #tpu.memory_space<vmem_shared>>)
        tpu.yield
      }) : () -> ()
    } else {
    }
    "tpu.region"() ({
      %run_scoped3A = tpu.sem_alloc : memref<!tpu.dma_semaphore, #tpu.memory_space<semaphore_mem>>
      tpu.enqueue_dma source(%arg4 : memref<128x128xf32, #tpu.memory_space<hbm>>) target(%arg8 : memref<128x128xf32, #tpu.memory_space<vmem>>) target_semaphore(%run_scoped3A : memref<!tpu.dma_semaphore, #tpu.memory_space<semaphore_mem>>)
      tpu.wait_dma2 semaphore(%run_scoped3A : memref<!tpu.dma_semaphore, #tpu.memory_space<semaphore_mem>>) src(%arg4 : memref<128x128xf32, #tpu.memory_space<hbm>>) dst(%arg8 : memref<128x128xf32, #tpu.memory_space<vmem>>)
      tpu.yield
    }) : () -> ()
    "tpu.region"() ({
      %run_scoped3A = tpu.sem_alloc : memref<!tpu.dma_semaphore, #tpu.memory_space<semaphore_mem>>
      %dma_start3A = arith.constant 0 : i32
      %dma_start3A_25 = arith.constant 0 : i32
      %dma_start3A_26 = tpu.memref_slice %arg2[%add3A, %dma_start3A, %dma_start3A_25] : memref<32x40x128xi32, #tpu.memory_space<hbm>> -> memref<1x40x128xi32, #tpu.memory_space<hbm>>
      %dma_start3A_27 = tpu.memref_squeeze %dma_start3A_26 : memref<1x40x128xi32, #tpu.memory_space<hbm>> -> memref<40x128xi32, #tpu.memory_space<hbm>>
      %dma_start3A_28 = arith.constant 0 : i32
      %dma_start3A_29 = arith.constant 0 : i32
      %dma_start3A_30 = tpu.memref_slice %arg2[%add3A, %dma_start3A_28, %dma_start3A_29] : memref<32x40x128xi32, #tpu.memory_space<hbm>> -> memref<1x40x128xi32, #tpu.memory_space<hbm>>
      %dma_start3A_31 = tpu.memref_squeeze %dma_start3A_30 : memref<1x40x128xi32, #tpu.memory_space<hbm>> -> memref<40x128xi32, #tpu.memory_space<hbm>>
      tpu.enqueue_dma source(%dma_start3A_31 : memref<40x128xi32, #tpu.memory_space<hbm>>) target(%arg7 : memref<40x128xi32, #tpu.memory_space<vmem>>) target_semaphore(%run_scoped3A : memref<!tpu.dma_semaphore, #tpu.memory_space<semaphore_mem>>)
      %dma_wait3A = arith.constant 0 : i32
      %dma_wait3A_32 = arith.constant 0 : i32
      %dma_wait3A_33 = tpu.memref_slice %arg2[%add3A, %dma_wait3A, %dma_wait3A_32] : memref<32x40x128xi32, #tpu.memory_space<hbm>> -> memref<1x40x128xi32, #tpu.memory_space<hbm>>
      %dma_wait3A_34 = tpu.memref_squeeze %dma_wait3A_33 : memref<1x40x128xi32, #tpu.memory_space<hbm>> -> memref<40x128xi32, #tpu.memory_space<hbm>>
      %dma_wait3A_35 = arith.constant 0 : i32
      %dma_wait3A_36 = arith.constant 0 : i32
      %dma_wait3A_37 = tpu.memref_slice %arg2[%add3A, %dma_wait3A_35, %dma_wait3A_36] : memref<32x40x128xi32, #tpu.memory_space<hbm>> -> memref<1x40x128xi32, #tpu.memory_space<hbm>>
      %dma_wait3A_38 = tpu.memref_squeeze %dma_wait3A_37 : memref<1x40x128xi32, #tpu.memory_space<hbm>> -> memref<40x128xi32, #tpu.memory_space<hbm>>
      tpu.wait_dma2 semaphore(%run_scoped3A : memref<!tpu.dma_semaphore, #tpu.memory_space<semaphore_mem>>) src(%dma_wait3A_38 : memref<40x128xi32, #tpu.memory_space<hbm>>) dst(%arg7 : memref<40x128xi32, #tpu.memory_space<vmem>>)
      tpu.yield
    }) : () -> ()
    %barrier3A = arith.constant 0 : index
    tpu.barrier barrier_id(%barrier3A)
    %scan3A = arith.constant 0 : i32
    %scan3A_7 = arith.constant 0 : i32
    %scan3A_8 = arith.constant 40 : i32
    %scan3A_9 = arith.addi %scan3A_7, %scan3A_8 : i32
    %scan3A_10 = arith.constant 1 : i32
    scf.for %scan3A_25 = %scan3A_7 to %scan3A_9 step %scan3A_10  : i32 {
      "tpu.region"() ({
        %run_scoped3A = tpu.sem_alloc : memref<!tpu.dma_semaphore, #tpu.memory_space<semaphore_mem>>
        %dma_start3A = arith.constant 0 : i32
        %dma_start3A_26 = tpu.memref_slice %arg7[%scan3A_25, %dma_start3A] : memref<40x128xi32, #tpu.memory_space<vmem>> -> memref<1x128xi32, #tpu.memory_space<vmem>>
        %dma_start3A_27 = tpu.memref_squeeze %dma_start3A_26 : memref<1x128xi32, #tpu.memory_space<vmem>> -> memref<128xi32, #tpu.memory_space<vmem>>
        %dma_start3A_28 = arith.constant 0 : i32
        %dma_start3A_29 = arith.constant 0 : i32
        %dma_start3A_30 = tpu.memref_slice %arg6[%dma_start3A_28, %dma_start3A_29] : memref<10016x128xf32, #tpu.memory_space<vmem_shared>> -> memref<10016x128xf32, #tpu.memory_space<vmem_shared>>
        tpu.enqueue_indirect_dma source(%arg8 : memref<128x128xf32, #tpu.memory_space<vmem>>) target(%dma_start3A_30 : memref<10016x128xf32, #tpu.memory_space<vmem_shared>>) offsets(%dma_start3A_27 : memref<128xi32, #tpu.memory_space<vmem>>) semaphore(%run_scoped3A : memref<!tpu.dma_semaphore, #tpu.memory_space<semaphore_mem>>) {add = true}
        %dma_wait3A = arith.constant 0 : i32
        %dma_wait3A_31 = tpu.memref_slice %arg7[%scan3A_25, %dma_wait3A] : memref<40x128xi32, #tpu.memory_space<vmem>> -> memref<1x128xi32, #tpu.memory_space<vmem>>
        %dma_wait3A_32 = tpu.memref_squeeze %dma_wait3A_31 : memref<1x128xi32, #tpu.memory_space<vmem>> -> memref<128xi32, #tpu.memory_space<vmem>>
        %dma_wait3A_33 = arith.constant 0 : i32
        %dma_wait3A_34 = arith.constant 0 : i32
        %dma_wait3A_35 = tpu.memref_slice %arg6[%dma_wait3A_33, %dma_wait3A_34] : memref<10016x128xf32, #tpu.memory_space<vmem_shared>> -> memref<10016x128xf32, #tpu.memory_space<vmem_shared>>
        tpu.wait_indirect_dma semaphore(%run_scoped3A : memref<!tpu.dma_semaphore, #tpu.memory_space<semaphore_mem>>) src(%arg8 : memref<128x128xf32, #tpu.memory_space<vmem>>) dst(%dma_wait3A_35 : memref<10016x128xf32, #tpu.memory_space<vmem_shared>>)
        tpu.yield
      }) : () -> ()
    }
    %scan3A_11 = arith.constant 40 : i32
    %barrier3A_12 = arith.constant 0 : index
    tpu.barrier barrier_id(%barrier3A_12)
    %mul3A_13 = arith.constant 624 : i32
    %mul3A_14 = arith.muli %arg1, %mul3A_13 : i32
    %mul3A_15 = arith.constant 10000 : i32
    %mul3A_16 = arith.muli %arg0, %mul3A_15 : i32
    %mul3A_17 = arith.constant 624 : i32
    %mul3A_18 = arith.muli %arg1, %mul3A_17 : i32
    %add3A_19 = arith.addi %mul3A_16, %mul3A_18 : i32
    "tpu.region"() ({
      %run_scoped3A = tpu.sem_alloc : memref<!tpu.dma_semaphore, #tpu.memory_space<semaphore_mem>>
      %dma_start3A = arith.constant 0 : i32
      %dma_start3A_25 = tpu.memref_slice %arg5[%add3A_19, %dma_start3A] : memref<20000x128xf32, #tpu.memory_space<hbm>> -> memref<624x128xf32, #tpu.memory_space<hbm>>
      %dma_start3A_26 = arith.constant 0 : i32
      %dma_start3A_27 = tpu.memref_slice %arg6[%mul3A_14, %dma_start3A_26] : memref<10016x128xf32, #tpu.memory_space<vmem_shared>> -> memref<624x128xf32, #tpu.memory_space<vmem_shared>>
      tpu.enqueue_dma source(%dma_start3A_27 : memref<624x128xf32, #tpu.memory_space<vmem_shared>>) target(%dma_start3A_25 : memref<624x128xf32, #tpu.memory_space<hbm>>) target_semaphore(%run_scoped3A : memref<!tpu.dma_semaphore, #tpu.memory_space<semaphore_mem>>)
      %dma_wait3A = arith.constant 0 : i32
      %dma_wait3A_28 = tpu.memref_slice %arg5[%add3A_19, %dma_wait3A] : memref<20000x128xf32, #tpu.memory_space<hbm>> -> memref<624x128xf32, #tpu.memory_space<hbm>>
      %dma_wait3A_29 = arith.constant 0 : i32
      %dma_wait3A_30 = tpu.memref_slice %arg6[%mul3A_14, %dma_wait3A_29] : memref<10016x128xf32, #tpu.memory_space<vmem_shared>> -> memref<624x128xf32, #tpu.memory_space<vmem_shared>>
      tpu.wait_dma2 semaphore(%run_scoped3A : memref<!tpu.dma_semaphore, #tpu.memory_space<semaphore_mem>>) src(%dma_wait3A_30 : memref<624x128xf32, #tpu.memory_space<vmem_shared>>) dst(%dma_wait3A_28 : memref<624x128xf32, #tpu.memory_space<hbm>>)
      tpu.yield
    }) : () -> ()
    %eq3A_20 = arith.constant 0 : i32
    %eq3A_21 = arith.cmpi eq, %arg1, %eq3A_20 : i32
    %convert_element_type3A_22 = arith.extui %eq3A_21 : i1 to i32
    %cond3A_23 = arith.constant 0 : i32
    %cond3A_24 = arith.cmpi ne, %convert_element_type3A_22, %cond3A_23 : i32
    scf.if %cond3A_24 {
      %mul3A_25 = arith.constant 10000 : i32
      %mul3A_26 = arith.muli %arg0, %mul3A_25 : i32
      %add3A_27 = arith.constant 9984 : i32
      %add3A_28 = arith.addi %mul3A_26, %add3A_27 : i32
      "tpu.region"() ({
        %run_scoped3A = tpu.sem_alloc : memref<!tpu.dma_semaphore, #tpu.memory_space<semaphore_mem>>
        %dma_start3A = arith.constant 0 : i32
        %dma_start3A_29 = tpu.memref_slice %arg5[%add3A_28, %dma_start3A] : memref<20000x128xf32, #tpu.memory_space<hbm>> -> memref<16x128xf32, #tpu.memory_space<hbm>>
        %dma_start3A_30 = arith.constant 9984 : i32
        %dma_start3A_31 = arith.constant 0 : i32
        %dma_start3A_32 = tpu.memref_slice %arg6[%dma_start3A_30, %dma_start3A_31] : memref<10016x128xf32, #tpu.memory_space<vmem_shared>> -> memref<16x128xf32, #tpu.memory_space<vmem_shared>>
        tpu.enqueue_dma source(%dma_start3A_32 : memref<16x128xf32, #tpu.memory_space<vmem_shared>>) target(%dma_start3A_29 : memref<16x128xf32, #tpu.memory_space<hbm>>) target_semaphore(%run_scoped3A : memref<!tpu.dma_semaphore, #tpu.memory_space<semaphore_mem>>)
        %dma_wait3A = arith.constant 0 : i32
        %dma_wait3A_33 = tpu.memref_slice %arg5[%add3A_28, %dma_wait3A] : memref<20000x128xf32, #tpu.memory_space<hbm>> -> memref<16x128xf32, #tpu.memory_space<hbm>>
        %dma_wait3A_34 = arith.constant 9984 : i32
        %dma_wait3A_35 = arith.constant 0 : i32
        %dma_wait3A_36 = tpu.memref_slice %arg6[%dma_wait3A_34, %dma_wait3A_35] : memref<10016x128xf32, #tpu.memory_space<vmem_shared>> -> memref<16x128xf32, #tpu.memory_space<vmem_shared>>
        tpu.wait_dma2 semaphore(%run_scoped3A : memref<!tpu.dma_semaphore, #tpu.memory_space<semaphore_mem>>) src(%dma_wait3A_36 : memref<16x128xf32, #tpu.memory_space<vmem_shared>>) dst(%dma_wait3A_33 : memref<16x128xf32, #tpu.memory_space<hbm>>)
        tpu.yield
      }) : () -> ()
    } else {
    }
    return
  }
}

#map = affine_map<(d0, d1) -> (0, 0)>
#map1 = affine_map<(d0, d1) -> (0, 0, 0)>
module attributes {stable_mosaic.version = 14 : i64} {
  func.func @agg(%arg0: i32, %arg1: i32, %arg2: memref<40000x128xf32, #tpu.memory_space<hbm>>, %arg3: memref<64x80x128xi32, #tpu.memory_space<hbm>>, %arg4: memref<16x80x128xi32, #tpu.memory_space<hbm>>, %arg5: memref<40000x128xf32, #tpu.memory_space<hbm>>, %arg6: memref<10016x128xf32, #tpu.memory_space<vmem_shared>>, %arg7: memref<80x128xi32, #tpu.memory_space<vmem>>, %arg8: memref<80x128xi32, #tpu.memory_space<vmem>>, %arg9: memref<128x128xf32, #tpu.memory_space<vmem>>, %arg10: memref<!tpu.dma_semaphore, #tpu.memory_space<semaphore_mem>>) attributes {dimension_semantics = [#tpu.dimension_semantics<core_parallel>, #tpu.dimension_semantics<subcore_parallel>], iteration_bounds = array<i64: 2, 16>, scalar_prefetch = 0 : i64, scratch_operands = 5 : i64, tpu.core_type = #tpu.core_type<sc_vector_subcore>, window_params = [{transform_indices = #map}, {transform_indices = #map1}, {transform_indices = #map1}, {transform_indices = #map}]} {
    "tpu.region"() ({
      %run_scoped3A = tpu.sem_alloc : memref<!tpu.dma_semaphore, #tpu.memory_space<semaphore_mem>>
      %dma_start3A = arith.constant 0 : i32
      %dma_start3A_69 = arith.constant 0 : i32
      %dma_start3A_70 = tpu.memref_slice %arg4[%arg1, %dma_start3A, %dma_start3A_69] : memref<16x80x128xi32, #tpu.memory_space<hbm>> -> memref<1x80x128xi32, #tpu.memory_space<hbm>>
      %dma_start3A_71 = tpu.memref_squeeze %dma_start3A_70 : memref<1x80x128xi32, #tpu.memory_space<hbm>> -> memref<80x128xi32, #tpu.memory_space<hbm>>
      %dma_start3A_72 = arith.constant 0 : i32
      %dma_start3A_73 = arith.constant 0 : i32
      %dma_start3A_74 = tpu.memref_slice %arg4[%arg1, %dma_start3A_72, %dma_start3A_73] : memref<16x80x128xi32, #tpu.memory_space<hbm>> -> memref<1x80x128xi32, #tpu.memory_space<hbm>>
      %dma_start3A_75 = tpu.memref_squeeze %dma_start3A_74 : memref<1x80x128xi32, #tpu.memory_space<hbm>> -> memref<80x128xi32, #tpu.memory_space<hbm>>
      tpu.enqueue_dma source(%dma_start3A_75 : memref<80x128xi32, #tpu.memory_space<hbm>>) target(%arg8 : memref<80x128xi32, #tpu.memory_space<vmem>>) target_semaphore(%run_scoped3A : memref<!tpu.dma_semaphore, #tpu.memory_space<semaphore_mem>>)
      %dma_wait3A = arith.constant 0 : i32
      %dma_wait3A_76 = arith.constant 0 : i32
      %dma_wait3A_77 = tpu.memref_slice %arg4[%arg1, %dma_wait3A, %dma_wait3A_76] : memref<16x80x128xi32, #tpu.memory_space<hbm>> -> memref<1x80x128xi32, #tpu.memory_space<hbm>>
      %dma_wait3A_78 = tpu.memref_squeeze %dma_wait3A_77 : memref<1x80x128xi32, #tpu.memory_space<hbm>> -> memref<80x128xi32, #tpu.memory_space<hbm>>
      %dma_wait3A_79 = arith.constant 0 : i32
      %dma_wait3A_80 = arith.constant 0 : i32
      %dma_wait3A_81 = tpu.memref_slice %arg4[%arg1, %dma_wait3A_79, %dma_wait3A_80] : memref<16x80x128xi32, #tpu.memory_space<hbm>> -> memref<1x80x128xi32, #tpu.memory_space<hbm>>
      %dma_wait3A_82 = tpu.memref_squeeze %dma_wait3A_81 : memref<1x80x128xi32, #tpu.memory_space<hbm>> -> memref<80x128xi32, #tpu.memory_space<hbm>>
      tpu.wait_dma2 semaphore(%run_scoped3A : memref<!tpu.dma_semaphore, #tpu.memory_space<semaphore_mem>>) src(%dma_wait3A_82 : memref<80x128xi32, #tpu.memory_space<hbm>>) dst(%arg8 : memref<80x128xi32, #tpu.memory_space<vmem>>)
      tpu.yield
    }) : () -> ()
    %mul3A = arith.constant 2 : i32
    %mul3A_0 = arith.muli %arg0, %mul3A : i32
    %add3A = arith.constant 0 : i32
    %add3A_1 = arith.addi %mul3A_0, %add3A : i32
    %mul3A_2 = arith.constant 10000 : i32
    %mul3A_3 = arith.muli %add3A_1, %mul3A_2 : i32
    %mul3A_4 = arith.constant 624 : i32
    %mul3A_5 = arith.muli %arg1, %mul3A_4 : i32
    %add3A_6 = arith.addi %mul3A_3, %mul3A_5 : i32
    %mul3A_7 = arith.constant 624 : i32
    %mul3A_8 = arith.muli %arg1, %mul3A_7 : i32
    "tpu.region"() ({
      %run_scoped3A = tpu.sem_alloc : memref<!tpu.dma_semaphore, #tpu.memory_space<semaphore_mem>>
      %dma_start3A = arith.constant 0 : i32
      %dma_start3A_69 = tpu.memref_slice %arg6[%mul3A_8, %dma_start3A] : memref<10016x128xf32, #tpu.memory_space<vmem_shared>> -> memref<624x128xf32, #tpu.memory_space<vmem_shared>>
      %dma_start3A_70 = arith.constant 0 : i32
      %dma_start3A_71 = tpu.memref_slice %arg2[%add3A_6, %dma_start3A_70] : memref<40000x128xf32, #tpu.memory_space<hbm>> -> memref<624x128xf32, #tpu.memory_space<hbm>>
      tpu.enqueue_dma source(%dma_start3A_71 : memref<624x128xf32, #tpu.memory_space<hbm>>) target(%dma_start3A_69 : memref<624x128xf32, #tpu.memory_space<vmem_shared>>) target_semaphore(%run_scoped3A : memref<!tpu.dma_semaphore, #tpu.memory_space<semaphore_mem>>)
      %dma_wait3A = arith.constant 0 : i32
      %dma_wait3A_72 = tpu.memref_slice %arg6[%mul3A_8, %dma_wait3A] : memref<10016x128xf32, #tpu.memory_space<vmem_shared>> -> memref<624x128xf32, #tpu.memory_space<vmem_shared>>
      %dma_wait3A_73 = arith.constant 0 : i32
      %dma_wait3A_74 = tpu.memref_slice %arg2[%add3A_6, %dma_wait3A_73] : memref<40000x128xf32, #tpu.memory_space<hbm>> -> memref<624x128xf32, #tpu.memory_space<hbm>>
      tpu.wait_dma2 semaphore(%run_scoped3A : memref<!tpu.dma_semaphore, #tpu.memory_space<semaphore_mem>>) src(%dma_wait3A_74 : memref<624x128xf32, #tpu.memory_space<hbm>>) dst(%dma_wait3A_72 : memref<624x128xf32, #tpu.memory_space<vmem_shared>>)
      tpu.yield
    }) : () -> ()
    %eq3A = arith.constant 0 : i32
    %eq3A_9 = arith.cmpi eq, %arg1, %eq3A : i32
    %convert_element_type3A = arith.extui %eq3A_9 : i1 to i32
    %cond3A = arith.constant 0 : i32
    %cond3A_10 = arith.cmpi ne, %convert_element_type3A, %cond3A : i32
    scf.if %cond3A_10 {
      %add3A_69 = arith.constant 9984 : i32
      %add3A_70 = arith.addi %mul3A_3, %add3A_69 : i32
      "tpu.region"() ({
        %run_scoped3A = tpu.sem_alloc : memref<!tpu.dma_semaphore, #tpu.memory_space<semaphore_mem>>
        %dma_start3A = arith.constant 9984 : i32
        %dma_start3A_71 = arith.constant 0 : i32
        %dma_start3A_72 = tpu.memref_slice %arg6[%dma_start3A, %dma_start3A_71] : memref<10016x128xf32, #tpu.memory_space<vmem_shared>> -> memref<16x128xf32, #tpu.memory_space<vmem_shared>>
        %dma_start3A_73 = arith.constant 0 : i32
        %dma_start3A_74 = tpu.memref_slice %arg2[%add3A_70, %dma_start3A_73] : memref<40000x128xf32, #tpu.memory_space<hbm>> -> memref<16x128xf32, #tpu.memory_space<hbm>>
        tpu.enqueue_dma source(%dma_start3A_74 : memref<16x128xf32, #tpu.memory_space<hbm>>) target(%dma_start3A_72 : memref<16x128xf32, #tpu.memory_space<vmem_shared>>) target_semaphore(%run_scoped3A : memref<!tpu.dma_semaphore, #tpu.memory_space<semaphore_mem>>)
        %dma_wait3A = arith.constant 9984 : i32
        %dma_wait3A_75 = arith.constant 0 : i32
        %dma_wait3A_76 = tpu.memref_slice %arg6[%dma_wait3A, %dma_wait3A_75] : memref<10016x128xf32, #tpu.memory_space<vmem_shared>> -> memref<16x128xf32, #tpu.memory_space<vmem_shared>>
        %dma_wait3A_77 = arith.constant 0 : i32
        %dma_wait3A_78 = tpu.memref_slice %arg2[%add3A_70, %dma_wait3A_77] : memref<40000x128xf32, #tpu.memory_space<hbm>> -> memref<16x128xf32, #tpu.memory_space<hbm>>
        tpu.wait_dma2 semaphore(%run_scoped3A : memref<!tpu.dma_semaphore, #tpu.memory_space<semaphore_mem>>) src(%dma_wait3A_78 : memref<16x128xf32, #tpu.memory_space<hbm>>) dst(%dma_wait3A_76 : memref<16x128xf32, #tpu.memory_space<vmem_shared>>)
        tpu.yield
      }) : () -> ()
    } else {
    }
    %mul3A_11 = arith.constant 16 : i32
    %mul3A_12 = arith.muli %add3A_1, %mul3A_11 : i32
    %add3A_13 = arith.addi %mul3A_12, %arg1 : i32
    "tpu.region"() ({
      %run_scoped3A = tpu.sem_alloc : memref<!tpu.dma_semaphore, #tpu.memory_space<semaphore_mem>>
      %dma_start3A = arith.constant 0 : i32
      %dma_start3A_69 = arith.constant 0 : i32
      %dma_start3A_70 = tpu.memref_slice %arg3[%add3A_13, %dma_start3A, %dma_start3A_69] : memref<64x80x128xi32, #tpu.memory_space<hbm>> -> memref<1x80x128xi32, #tpu.memory_space<hbm>>
      %dma_start3A_71 = tpu.memref_squeeze %dma_start3A_70 : memref<1x80x128xi32, #tpu.memory_space<hbm>> -> memref<80x128xi32, #tpu.memory_space<hbm>>
      %dma_start3A_72 = arith.constant 0 : i32
      %dma_start3A_73 = arith.constant 0 : i32
      %dma_start3A_74 = tpu.memref_slice %arg3[%add3A_13, %dma_start3A_72, %dma_start3A_73] : memref<64x80x128xi32, #tpu.memory_space<hbm>> -> memref<1x80x128xi32, #tpu.memory_space<hbm>>
      %dma_start3A_75 = tpu.memref_squeeze %dma_start3A_74 : memref<1x80x128xi32, #tpu.memory_space<hbm>> -> memref<80x128xi32, #tpu.memory_space<hbm>>
      tpu.enqueue_dma source(%dma_start3A_75 : memref<80x128xi32, #tpu.memory_space<hbm>>) target(%arg7 : memref<80x128xi32, #tpu.memory_space<vmem>>) target_semaphore(%run_scoped3A : memref<!tpu.dma_semaphore, #tpu.memory_space<semaphore_mem>>)
      %dma_wait3A = arith.constant 0 : i32
      %dma_wait3A_76 = arith.constant 0 : i32
      %dma_wait3A_77 = tpu.memref_slice %arg3[%add3A_13, %dma_wait3A, %dma_wait3A_76] : memref<64x80x128xi32, #tpu.memory_space<hbm>> -> memref<1x80x128xi32, #tpu.memory_space<hbm>>
      %dma_wait3A_78 = tpu.memref_squeeze %dma_wait3A_77 : memref<1x80x128xi32, #tpu.memory_space<hbm>> -> memref<80x128xi32, #tpu.memory_space<hbm>>
      %dma_wait3A_79 = arith.constant 0 : i32
      %dma_wait3A_80 = arith.constant 0 : i32
      %dma_wait3A_81 = tpu.memref_slice %arg3[%add3A_13, %dma_wait3A_79, %dma_wait3A_80] : memref<64x80x128xi32, #tpu.memory_space<hbm>> -> memref<1x80x128xi32, #tpu.memory_space<hbm>>
      %dma_wait3A_82 = tpu.memref_squeeze %dma_wait3A_81 : memref<1x80x128xi32, #tpu.memory_space<hbm>> -> memref<80x128xi32, #tpu.memory_space<hbm>>
      tpu.wait_dma2 semaphore(%run_scoped3A : memref<!tpu.dma_semaphore, #tpu.memory_space<semaphore_mem>>) src(%dma_wait3A_82 : memref<80x128xi32, #tpu.memory_space<hbm>>) dst(%arg7 : memref<80x128xi32, #tpu.memory_space<vmem>>)
      tpu.yield
    }) : () -> ()
    %barrier3A = arith.constant 0 : index
    tpu.barrier barrier_id(%barrier3A)
    %scan3A = arith.constant 0 : i32
    %scan3A_14 = arith.constant 0 : i32
    %scan3A_15 = arith.constant 80 : i32
    %scan3A_16 = arith.addi %scan3A_14, %scan3A_15 : i32
    %scan3A_17 = arith.constant 1 : i32
    scf.for %scan3A_69 = %scan3A_14 to %scan3A_16 step %scan3A_17  : i32 {
      %dma_start3A = arith.constant 0 : i32
      %dma_start3A_70 = tpu.memref_slice %arg7[%scan3A_69, %dma_start3A] : memref<80x128xi32, #tpu.memory_space<vmem>> -> memref<1x128xi32, #tpu.memory_space<vmem>>
      %dma_start3A_71 = tpu.memref_squeeze %dma_start3A_70 : memref<1x128xi32, #tpu.memory_space<vmem>> -> memref<128xi32, #tpu.memory_space<vmem>>
      %dma_start3A_72 = arith.constant 0 : i32
      %dma_start3A_73 = arith.constant 0 : i32
      %dma_start3A_74 = tpu.memref_slice %arg2[%dma_start3A_72, %dma_start3A_73] : memref<40000x128xf32, #tpu.memory_space<hbm>> -> memref<40000x128xf32, #tpu.memory_space<hbm>>
      tpu.enqueue_indirect_dma source(%dma_start3A_74 : memref<40000x128xf32, #tpu.memory_space<hbm>>) target(%arg9 : memref<128x128xf32, #tpu.memory_space<vmem>>) offsets(%dma_start3A_71 : memref<128xi32, #tpu.memory_space<vmem>>) semaphore(%arg10 : memref<!tpu.dma_semaphore, #tpu.memory_space<semaphore_mem>>)
      %dma_wait3A = arith.constant 0 : i32
      %dma_wait3A_75 = tpu.memref_slice %arg7[%scan3A_69, %dma_wait3A] : memref<80x128xi32, #tpu.memory_space<vmem>> -> memref<1x128xi32, #tpu.memory_space<vmem>>
      %dma_wait3A_76 = tpu.memref_squeeze %dma_wait3A_75 : memref<1x128xi32, #tpu.memory_space<vmem>> -> memref<128xi32, #tpu.memory_space<vmem>>
      %dma_wait3A_77 = arith.constant 0 : i32
      %dma_wait3A_78 = arith.constant 0 : i32
      %dma_wait3A_79 = tpu.memref_slice %arg2[%dma_wait3A_77, %dma_wait3A_78] : memref<40000x128xf32, #tpu.memory_space<hbm>> -> memref<40000x128xf32, #tpu.memory_space<hbm>>
      tpu.wait_indirect_dma semaphore(%arg10 : memref<!tpu.dma_semaphore, #tpu.memory_space<semaphore_mem>>) src(%dma_wait3A_79 : memref<40000x128xf32, #tpu.memory_space<hbm>>) dst(%arg9 : memref<128x128xf32, #tpu.memory_space<vmem>>)
    }
    %scan3A_18 = arith.constant 80 : i32
    %barrier3A_19 = arith.constant 0 : index
    tpu.barrier barrier_id(%barrier3A_19)
    %mul3A_20 = arith.constant 624 : i32
    %mul3A_21 = arith.muli %arg1, %mul3A_20 : i32
    %mul3A_22 = arith.constant 624 : i32
    %mul3A_23 = arith.muli %arg1, %mul3A_22 : i32
    %add3A_24 = arith.addi %mul3A_3, %mul3A_23 : i32
    "tpu.region"() ({
      %run_scoped3A = tpu.sem_alloc : memref<!tpu.dma_semaphore, #tpu.memory_space<semaphore_mem>>
      %dma_start3A = arith.constant 0 : i32
      %dma_start3A_69 = tpu.memref_slice %arg5[%add3A_24, %dma_start3A] : memref<40000x128xf32, #tpu.memory_space<hbm>> -> memref<624x128xf32, #tpu.memory_space<hbm>>
      %dma_start3A_70 = arith.constant 0 : i32
      %dma_start3A_71 = tpu.memref_slice %arg6[%mul3A_21, %dma_start3A_70] : memref<10016x128xf32, #tpu.memory_space<vmem_shared>> -> memref<624x128xf32, #tpu.memory_space<vmem_shared>>
      tpu.enqueue_dma source(%dma_start3A_71 : memref<624x128xf32, #tpu.memory_space<vmem_shared>>) target(%dma_start3A_69 : memref<624x128xf32, #tpu.memory_space<hbm>>) target_semaphore(%run_scoped3A : memref<!tpu.dma_semaphore, #tpu.memory_space<semaphore_mem>>)
      %dma_wait3A = arith.constant 0 : i32
      %dma_wait3A_72 = tpu.memref_slice %arg5[%add3A_24, %dma_wait3A] : memref<40000x128xf32, #tpu.memory_space<hbm>> -> memref<624x128xf32, #tpu.memory_space<hbm>>
      %dma_wait3A_73 = arith.constant 0 : i32
      %dma_wait3A_74 = tpu.memref_slice %arg6[%mul3A_21, %dma_wait3A_73] : memref<10016x128xf32, #tpu.memory_space<vmem_shared>> -> memref<624x128xf32, #tpu.memory_space<vmem_shared>>
      tpu.wait_dma2 semaphore(%run_scoped3A : memref<!tpu.dma_semaphore, #tpu.memory_space<semaphore_mem>>) src(%dma_wait3A_74 : memref<624x128xf32, #tpu.memory_space<vmem_shared>>) dst(%dma_wait3A_72 : memref<624x128xf32, #tpu.memory_space<hbm>>)
      tpu.yield
    }) : () -> ()
    %eq3A_25 = arith.constant 0 : i32
    %eq3A_26 = arith.cmpi eq, %arg1, %eq3A_25 : i32
    %convert_element_type3A_27 = arith.extui %eq3A_26 : i1 to i32
    %cond3A_28 = arith.constant 0 : i32
    %cond3A_29 = arith.cmpi ne, %convert_element_type3A_27, %cond3A_28 : i32
    scf.if %cond3A_29 {
      %add3A_69 = arith.constant 9984 : i32
      %add3A_70 = arith.addi %mul3A_3, %add3A_69 : i32
      "tpu.region"() ({
        %run_scoped3A = tpu.sem_alloc : memref<!tpu.dma_semaphore, #tpu.memory_space<semaphore_mem>>
        %dma_start3A = arith.constant 0 : i32
        %dma_start3A_71 = tpu.memref_slice %arg5[%add3A_70, %dma_start3A] : memref<40000x128xf32, #tpu.memory_space<hbm>> -> memref<16x128xf32, #tpu.memory_space<hbm>>
        %dma_start3A_72 = arith.constant 9984 : i32
        %dma_start3A_73 = arith.constant 0 : i32
        %dma_start3A_74 = tpu.memref_slice %arg6[%dma_start3A_72, %dma_start3A_73] : memref<10016x128xf32, #tpu.memory_space<vmem_shared>> -> memref<16x128xf32, #tpu.memory_space<vmem_shared>>
        tpu.enqueue_dma source(%dma_start3A_74 : memref<16x128xf32, #tpu.memory_space<vmem_shared>>) target(%dma_start3A_71 : memref<16x128xf32, #tpu.memory_space<hbm>>) target_semaphore(%run_scoped3A : memref<!tpu.dma_semaphore, #tpu.memory_space<semaphore_mem>>)
        %dma_wait3A = arith.constant 0 : i32
        %dma_wait3A_75 = tpu.memref_slice %arg5[%add3A_70, %dma_wait3A] : memref<40000x128xf32, #tpu.memory_space<hbm>> -> memref<16x128xf32, #tpu.memory_space<hbm>>
        %dma_wait3A_76 = arith.constant 9984 : i32
        %dma_wait3A_77 = arith.constant 0 : i32
        %dma_wait3A_78 = tpu.memref_slice %arg6[%dma_wait3A_76, %dma_wait3A_77] : memref<10016x128xf32, #tpu.memory_space<vmem_shared>> -> memref<16x128xf32, #tpu.memory_space<vmem_shared>>
        tpu.wait_dma2 semaphore(%run_scoped3A : memref<!tpu.dma_semaphore, #tpu.memory_space<semaphore_mem>>) src(%dma_wait3A_78 : memref<16x128xf32, #tpu.memory_space<vmem_shared>>) dst(%dma_wait3A_75 : memref<16x128xf32, #tpu.memory_space<hbm>>)
        tpu.yield
      }) : () -> ()
    } else {
    }
    %barrier3A_30 = arith.constant 0 : index
    tpu.barrier barrier_id(%barrier3A_30)
    %mul3A_31 = arith.constant 2 : i32
    %mul3A_32 = arith.muli %arg0, %mul3A_31 : i32
    %add3A_33 = arith.constant 1 : i32
    %add3A_34 = arith.addi %mul3A_32, %add3A_33 : i32
    %mul3A_35 = arith.constant 10000 : i32
    %mul3A_36 = arith.muli %add3A_34, %mul3A_35 : i32
    %mul3A_37 = arith.constant 624 : i32
    %mul3A_38 = arith.muli %arg1, %mul3A_37 : i32
    %add3A_39 = arith.addi %mul3A_36, %mul3A_38 : i32
    %mul3A_40 = arith.constant 624 : i32
    %mul3A_41 = arith.muli %arg1, %mul3A_40 : i32
    "tpu.region"() ({
      %run_scoped3A = tpu.sem_alloc : memref<!tpu.dma_semaphore, #tpu.memory_space<semaphore_mem>>
      %dma_start3A = arith.constant 0 : i32
      %dma_start3A_69 = tpu.memref_slice %arg6[%mul3A_41, %dma_start3A] : memref<10016x128xf32, #tpu.memory_space<vmem_shared>> -> memref<624x128xf32, #tpu.memory_space<vmem_shared>>
      %dma_start3A_70 = arith.constant 0 : i32
      %dma_start3A_71 = tpu.memref_slice %arg2[%add3A_39, %dma_start3A_70] : memref<40000x128xf32, #tpu.memory_space<hbm>> -> memref<624x128xf32, #tpu.memory_space<hbm>>
      tpu.enqueue_dma source(%dma_start3A_71 : memref<624x128xf32, #tpu.memory_space<hbm>>) target(%dma_start3A_69 : memref<624x128xf32, #tpu.memory_space<vmem_shared>>) target_semaphore(%run_scoped3A : memref<!tpu.dma_semaphore, #tpu.memory_space<semaphore_mem>>)
      %dma_wait3A = arith.constant 0 : i32
      %dma_wait3A_72 = tpu.memref_slice %arg6[%mul3A_41, %dma_wait3A] : memref<10016x128xf32, #tpu.memory_space<vmem_shared>> -> memref<624x128xf32, #tpu.memory_space<vmem_shared>>
      %dma_wait3A_73 = arith.constant 0 : i32
      %dma_wait3A_74 = tpu.memref_slice %arg2[%add3A_39, %dma_wait3A_73] : memref<40000x128xf32, #tpu.memory_space<hbm>> -> memref<624x128xf32, #tpu.memory_space<hbm>>
      tpu.wait_dma2 semaphore(%run_scoped3A : memref<!tpu.dma_semaphore, #tpu.memory_space<semaphore_mem>>) src(%dma_wait3A_74 : memref<624x128xf32, #tpu.memory_space<hbm>>) dst(%dma_wait3A_72 : memref<624x128xf32, #tpu.memory_space<vmem_shared>>)
      tpu.yield
    }) : () -> ()
    %eq3A_42 = arith.constant 0 : i32
    %eq3A_43 = arith.cmpi eq, %arg1, %eq3A_42 : i32
    %convert_element_type3A_44 = arith.extui %eq3A_43 : i1 to i32
    %cond3A_45 = arith.constant 0 : i32
    %cond3A_46 = arith.cmpi ne, %convert_element_type3A_44, %cond3A_45 : i32
    scf.if %cond3A_46 {
      %add3A_69 = arith.constant 9984 : i32
      %add3A_70 = arith.addi %mul3A_36, %add3A_69 : i32
      "tpu.region"() ({
        %run_scoped3A = tpu.sem_alloc : memref<!tpu.dma_semaphore, #tpu.memory_space<semaphore_mem>>
        %dma_start3A = arith.constant 9984 : i32
        %dma_start3A_71 = arith.constant 0 : i32
        %dma_start3A_72 = tpu.memref_slice %arg6[%dma_start3A, %dma_start3A_71] : memref<10016x128xf32, #tpu.memory_space<vmem_shared>> -> memref<16x128xf32, #tpu.memory_space<vmem_shared>>
        %dma_start3A_73 = arith.constant 0 : i32
        %dma_start3A_74 = tpu.memref_slice %arg2[%add3A_70, %dma_start3A_73] : memref<40000x128xf32, #tpu.memory_space<hbm>> -> memref<16x128xf32, #tpu.memory_space<hbm>>
        tpu.enqueue_dma source(%dma_start3A_74 : memref<16x128xf32, #tpu.memory_space<hbm>>) target(%dma_start3A_72 : memref<16x128xf32, #tpu.memory_space<vmem_shared>>) target_semaphore(%run_scoped3A : memref<!tpu.dma_semaphore, #tpu.memory_space<semaphore_mem>>)
        %dma_wait3A = arith.constant 9984 : i32
        %dma_wait3A_75 = arith.constant 0 : i32
        %dma_wait3A_76 = tpu.memref_slice %arg6[%dma_wait3A, %dma_wait3A_75] : memref<10016x128xf32, #tpu.memory_space<vmem_shared>> -> memref<16x128xf32, #tpu.memory_space<vmem_shared>>
        %dma_wait3A_77 = arith.constant 0 : i32
        %dma_wait3A_78 = tpu.memref_slice %arg2[%add3A_70, %dma_wait3A_77] : memref<40000x128xf32, #tpu.memory_space<hbm>> -> memref<16x128xf32, #tpu.memory_space<hbm>>
        tpu.wait_dma2 semaphore(%run_scoped3A : memref<!tpu.dma_semaphore, #tpu.memory_space<semaphore_mem>>) src(%dma_wait3A_78 : memref<16x128xf32, #tpu.memory_space<hbm>>) dst(%dma_wait3A_76 : memref<16x128xf32, #tpu.memory_space<vmem_shared>>)
        tpu.yield
      }) : () -> ()
    } else {
    }
    %mul3A_47 = arith.constant 16 : i32
    %mul3A_48 = arith.muli %add3A_34, %mul3A_47 : i32
    %add3A_49 = arith.addi %mul3A_48, %arg1 : i32
    "tpu.region"() ({
      %run_scoped3A = tpu.sem_alloc : memref<!tpu.dma_semaphore, #tpu.memory_space<semaphore_mem>>
      %dma_start3A = arith.constant 0 : i32
      %dma_start3A_69 = arith.constant 0 : i32
      %dma_start3A_70 = tpu.memref_slice %arg3[%add3A_49, %dma_start3A, %dma_start3A_69] : memref<64x80x128xi32, #tpu.memory_space<hbm>> -> memref<1x80x128xi32, #tpu.memory_space<hbm>>
      %dma_start3A_71 = tpu.memref_squeeze %dma_start3A_70 : memref<1x80x128xi32, #tpu.memory_space<hbm>> -> memref<80x128xi32, #tpu.memory_space<hbm>>
      %dma_start3A_72 = arith.constant 0 : i32
      %dma_start3A_73 = arith.constant 0 : i32
      %dma_start3A_74 = tpu.memref_slice %arg3[%add3A_49, %dma_start3A_72, %dma_start3A_73] : memref<64x80x128xi32, #tpu.memory_space<hbm>> -> memref<1x80x128xi32, #tpu.memory_space<hbm>>
      %dma_start3A_75 = tpu.memref_squeeze %dma_start3A_74 : memref<1x80x128xi32, #tpu.memory_space<hbm>> -> memref<80x128xi32, #tpu.memory_space<hbm>>
      tpu.enqueue_dma source(%dma_start3A_75 : memref<80x128xi32, #tpu.memory_space<hbm>>) target(%arg7 : memref<80x128xi32, #tpu.memory_space<vmem>>) target_semaphore(%run_scoped3A : memref<!tpu.dma_semaphore, #tpu.memory_space<semaphore_mem>>)
      %dma_wait3A = arith.constant 0 : i32
      %dma_wait3A_76 = arith.constant 0 : i32
      %dma_wait3A_77 = tpu.memref_slice %arg3[%add3A_49, %dma_wait3A, %dma_wait3A_76] : memref<64x80x128xi32, #tpu.memory_space<hbm>> -> memref<1x80x128xi32, #tpu.memory_space<hbm>>
      %dma_wait3A_78 = tpu.memref_squeeze %dma_wait3A_77 : memref<1x80x128xi32, #tpu.memory_space<hbm>> -> memref<80x128xi32, #tpu.memory_space<hbm>>
      %dma_wait3A_79 = arith.constant 0 : i32
      %dma_wait3A_80 = arith.constant 0 : i32
      %dma_wait3A_81 = tpu.memref_slice %arg3[%add3A_49, %dma_wait3A_79, %dma_wait3A_80] : memref<64x80x128xi32, #tpu.memory_space<hbm>> -> memref<1x80x128xi32, #tpu.memory_space<hbm>>
      %dma_wait3A_82 = tpu.memref_squeeze %dma_wait3A_81 : memref<1x80x128xi32, #tpu.memory_space<hbm>> -> memref<80x128xi32, #tpu.memory_space<hbm>>
      tpu.wait_dma2 semaphore(%run_scoped3A : memref<!tpu.dma_semaphore, #tpu.memory_space<semaphore_mem>>) src(%dma_wait3A_82 : memref<80x128xi32, #tpu.memory_space<hbm>>) dst(%arg7 : memref<80x128xi32, #tpu.memory_space<vmem>>)
      tpu.yield
    }) : () -> ()
    %barrier3A_50 = arith.constant 0 : index
    tpu.barrier barrier_id(%barrier3A_50)
    %scan3A_51 = arith.constant 0 : i32
    %scan3A_52 = arith.constant 0 : i32
    %scan3A_53 = arith.constant 80 : i32
    %scan3A_54 = arith.addi %scan3A_52, %scan3A_53 : i32
    %scan3A_55 = arith.constant 1 : i32
    scf.for %scan3A_69 = %scan3A_52 to %scan3A_54 step %scan3A_55  : i32 {
      %dma_start3A = arith.constant 0 : i32
      %dma_start3A_70 = tpu.memref_slice %arg7[%scan3A_69, %dma_start3A] : memref<80x128xi32, #tpu.memory_space<vmem>> -> memref<1x128xi32, #tpu.memory_space<vmem>>
      %dma_start3A_71 = tpu.memref_squeeze %dma_start3A_70 : memref<1x128xi32, #tpu.memory_space<vmem>> -> memref<128xi32, #tpu.memory_space<vmem>>
      %dma_start3A_72 = arith.constant 0 : i32
      %dma_start3A_73 = arith.constant 0 : i32
      %dma_start3A_74 = tpu.memref_slice %arg2[%dma_start3A_72, %dma_start3A_73] : memref<40000x128xf32, #tpu.memory_space<hbm>> -> memref<40000x128xf32, #tpu.memory_space<hbm>>
      tpu.enqueue_indirect_dma source(%dma_start3A_74 : memref<40000x128xf32, #tpu.memory_space<hbm>>) target(%arg9 : memref<128x128xf32, #tpu.memory_space<vmem>>) offsets(%dma_start3A_71 : memref<128xi32, #tpu.memory_space<vmem>>) semaphore(%arg10 : memref<!tpu.dma_semaphore, #tpu.memory_space<semaphore_mem>>)
      %dma_wait3A = arith.constant 0 : i32
      %dma_wait3A_75 = tpu.memref_slice %arg7[%scan3A_69, %dma_wait3A] : memref<80x128xi32, #tpu.memory_space<vmem>> -> memref<1x128xi32, #tpu.memory_space<vmem>>
      %dma_wait3A_76 = tpu.memref_squeeze %dma_wait3A_75 : memref<1x128xi32, #tpu.memory_space<vmem>> -> memref<128xi32, #tpu.memory_space<vmem>>
      %dma_wait3A_77 = arith.constant 0 : i32
      %dma_wait3A_78 = arith.constant 0 : i32
      %dma_wait3A_79 = tpu.memref_slice %arg2[%dma_wait3A_77, %dma_wait3A_78] : memref<40000x128xf32, #tpu.memory_space<hbm>> -> memref<40000x128xf32, #tpu.memory_space<hbm>>
      tpu.wait_indirect_dma semaphore(%arg10 : memref<!tpu.dma_semaphore, #tpu.memory_space<semaphore_mem>>) src(%dma_wait3A_79 : memref<40000x128xf32, #tpu.memory_space<hbm>>) dst(%arg9 : memref<128x128xf32, #tpu.memory_space<vmem>>)
    }
    %scan3A_56 = arith.constant 80 : i32
    %barrier3A_57 = arith.constant 0 : index
    tpu.barrier barrier_id(%barrier3A_57)
    %mul3A_58 = arith.constant 624 : i32
    %mul3A_59 = arith.muli %arg1, %mul3A_58 : i32
    %mul3A_60 = arith.constant 624 : i32
    %mul3A_61 = arith.muli %arg1, %mul3A_60 : i32
    %add3A_62 = arith.addi %mul3A_36, %mul3A_61 : i32
    "tpu.region"() ({
      %run_scoped3A = tpu.sem_alloc : memref<!tpu.dma_semaphore, #tpu.memory_space<semaphore_mem>>
      %dma_start3A = arith.constant 0 : i32
      %dma_start3A_69 = tpu.memref_slice %arg5[%add3A_62, %dma_start3A] : memref<40000x128xf32, #tpu.memory_space<hbm>> -> memref<624x128xf32, #tpu.memory_space<hbm>>
      %dma_start3A_70 = arith.constant 0 : i32
      %dma_start3A_71 = tpu.memref_slice %arg6[%mul3A_59, %dma_start3A_70] : memref<10016x128xf32, #tpu.memory_space<vmem_shared>> -> memref<624x128xf32, #tpu.memory_space<vmem_shared>>
      tpu.enqueue_dma source(%dma_start3A_71 : memref<624x128xf32, #tpu.memory_space<vmem_shared>>) target(%dma_start3A_69 : memref<624x128xf32, #tpu.memory_space<hbm>>) target_semaphore(%run_scoped3A : memref<!tpu.dma_semaphore, #tpu.memory_space<semaphore_mem>>)
      %dma_wait3A = arith.constant 0 : i32
      %dma_wait3A_72 = tpu.memref_slice %arg5[%add3A_62, %dma_wait3A] : memref<40000x128xf32, #tpu.memory_space<hbm>> -> memref<624x128xf32, #tpu.memory_space<hbm>>
      %dma_wait3A_73 = arith.constant 0 : i32
      %dma_wait3A_74 = tpu.memref_slice %arg6[%mul3A_59, %dma_wait3A_73] : memref<10016x128xf32, #tpu.memory_space<vmem_shared>> -> memref<624x128xf32, #tpu.memory_space<vmem_shared>>
      tpu.wait_dma2 semaphore(%run_scoped3A : memref<!tpu.dma_semaphore, #tpu.memory_space<semaphore_mem>>) src(%dma_wait3A_74 : memref<624x128xf32, #tpu.memory_space<vmem_shared>>) dst(%dma_wait3A_72 : memref<624x128xf32, #tpu.memory_space<hbm>>)
      tpu.yield
    }) : () -> ()
    %eq3A_63 = arith.constant 0 : i32
    %eq3A_64 = arith.cmpi eq, %arg1, %eq3A_63 : i32
    %convert_element_type3A_65 = arith.extui %eq3A_64 : i1 to i32
    %cond3A_66 = arith.constant 0 : i32
    %cond3A_67 = arith.cmpi ne, %convert_element_type3A_65, %cond3A_66 : i32
    scf.if %cond3A_67 {
      %add3A_69 = arith.constant 9984 : i32
      %add3A_70 = arith.addi %mul3A_36, %add3A_69 : i32
      "tpu.region"() ({
        %run_scoped3A = tpu.sem_alloc : memref<!tpu.dma_semaphore, #tpu.memory_space<semaphore_mem>>
        %dma_start3A = arith.constant 0 : i32
        %dma_start3A_71 = tpu.memref_slice %arg5[%add3A_70, %dma_start3A] : memref<40000x128xf32, #tpu.memory_space<hbm>> -> memref<16x128xf32, #tpu.memory_space<hbm>>
        %dma_start3A_72 = arith.constant 9984 : i32
        %dma_start3A_73 = arith.constant 0 : i32
        %dma_start3A_74 = tpu.memref_slice %arg6[%dma_start3A_72, %dma_start3A_73] : memref<10016x128xf32, #tpu.memory_space<vmem_shared>> -> memref<16x128xf32, #tpu.memory_space<vmem_shared>>
        tpu.enqueue_dma source(%dma_start3A_74 : memref<16x128xf32, #tpu.memory_space<vmem_shared>>) target(%dma_start3A_71 : memref<16x128xf32, #tpu.memory_space<hbm>>) target_semaphore(%run_scoped3A : memref<!tpu.dma_semaphore, #tpu.memory_space<semaphore_mem>>)
        %dma_wait3A = arith.constant 0 : i32
        %dma_wait3A_75 = tpu.memref_slice %arg5[%add3A_70, %dma_wait3A] : memref<40000x128xf32, #tpu.memory_space<hbm>> -> memref<16x128xf32, #tpu.memory_space<hbm>>
        %dma_wait3A_76 = arith.constant 9984 : i32
        %dma_wait3A_77 = arith.constant 0 : i32
        %dma_wait3A_78 = tpu.memref_slice %arg6[%dma_wait3A_76, %dma_wait3A_77] : memref<10016x128xf32, #tpu.memory_space<vmem_shared>> -> memref<16x128xf32, #tpu.memory_space<vmem_shared>>
        tpu.wait_dma2 semaphore(%run_scoped3A : memref<!tpu.dma_semaphore, #tpu.memory_space<semaphore_mem>>) src(%dma_wait3A_78 : memref<16x128xf32, #tpu.memory_space<vmem_shared>>) dst(%dma_wait3A_75 : memref<16x128xf32, #tpu.memory_space<hbm>>)
        tpu.yield
      }) : () -> ()
    } else {
    }
    %barrier3A_68 = arith.constant 0 : index
    tpu.barrier barrier_id(%barrier3A_68)
    return
  }
}

#map = affine_map<(d0, d1) -> (0, 0)>
#map1 = affine_map<(d0, d1) -> (0, 0, 0)>
module attributes {stable_mosaic.version = 14 : i64} {
  func.func @agg(%arg0: i32, %arg1: i32, %arg2: memref<80000x128xf32, #tpu.memory_space<hbm>>, %arg3: memref<128x80x128xi32, #tpu.memory_space<hbm>>, %arg4: memref<16x80x128xi32, #tpu.memory_space<hbm>>, %arg5: memref<80000x128xf32, #tpu.memory_space<hbm>>, %arg6: memref<10016x128xf32, #tpu.memory_space<vmem_shared>>, %arg7: memref<80x128xi32, #tpu.memory_space<vmem>>, %arg8: memref<80x128xi32, #tpu.memory_space<vmem>>, %arg9: memref<128x128xf32, #tpu.memory_space<vmem>>, %arg10: memref<!tpu.dma_semaphore, #tpu.memory_space<semaphore_mem>>) attributes {dimension_semantics = [#tpu.dimension_semantics<core_parallel>, #tpu.dimension_semantics<subcore_parallel>], iteration_bounds = array<i64: 2, 16>, scalar_prefetch = 0 : i64, scratch_operands = 5 : i64, tpu.core_type = #tpu.core_type<sc_vector_subcore>, window_params = [{transform_indices = #map}, {transform_indices = #map1}, {transform_indices = #map1}, {transform_indices = #map}]} {
    "tpu.region"() ({
      %run_scoped3A = tpu.sem_alloc : memref<!tpu.dma_semaphore, #tpu.memory_space<semaphore_mem>>
      %dma_start3A = arith.constant 0 : i32
      %dma_start3A_145 = arith.constant 0 : i32
      %dma_start3A_146 = tpu.memref_slice %arg4[%arg1, %dma_start3A, %dma_start3A_145] : memref<16x80x128xi32, #tpu.memory_space<hbm>> -> memref<1x80x128xi32, #tpu.memory_space<hbm>>
      %dma_start3A_147 = tpu.memref_squeeze %dma_start3A_146 : memref<1x80x128xi32, #tpu.memory_space<hbm>> -> memref<80x128xi32, #tpu.memory_space<hbm>>
      %dma_start3A_148 = arith.constant 0 : i32
      %dma_start3A_149 = arith.constant 0 : i32
      %dma_start3A_150 = tpu.memref_slice %arg4[%arg1, %dma_start3A_148, %dma_start3A_149] : memref<16x80x128xi32, #tpu.memory_space<hbm>> -> memref<1x80x128xi32, #tpu.memory_space<hbm>>
      %dma_start3A_151 = tpu.memref_squeeze %dma_start3A_150 : memref<1x80x128xi32, #tpu.memory_space<hbm>> -> memref<80x128xi32, #tpu.memory_space<hbm>>
      tpu.enqueue_dma source(%dma_start3A_151 : memref<80x128xi32, #tpu.memory_space<hbm>>) target(%arg8 : memref<80x128xi32, #tpu.memory_space<vmem>>) target_semaphore(%run_scoped3A : memref<!tpu.dma_semaphore, #tpu.memory_space<semaphore_mem>>)
      %dma_wait3A = arith.constant 0 : i32
      %dma_wait3A_152 = arith.constant 0 : i32
      %dma_wait3A_153 = tpu.memref_slice %arg4[%arg1, %dma_wait3A, %dma_wait3A_152] : memref<16x80x128xi32, #tpu.memory_space<hbm>> -> memref<1x80x128xi32, #tpu.memory_space<hbm>>
      %dma_wait3A_154 = tpu.memref_squeeze %dma_wait3A_153 : memref<1x80x128xi32, #tpu.memory_space<hbm>> -> memref<80x128xi32, #tpu.memory_space<hbm>>
      %dma_wait3A_155 = arith.constant 0 : i32
      %dma_wait3A_156 = arith.constant 0 : i32
      %dma_wait3A_157 = tpu.memref_slice %arg4[%arg1, %dma_wait3A_155, %dma_wait3A_156] : memref<16x80x128xi32, #tpu.memory_space<hbm>> -> memref<1x80x128xi32, #tpu.memory_space<hbm>>
      %dma_wait3A_158 = tpu.memref_squeeze %dma_wait3A_157 : memref<1x80x128xi32, #tpu.memory_space<hbm>> -> memref<80x128xi32, #tpu.memory_space<hbm>>
      tpu.wait_dma2 semaphore(%run_scoped3A : memref<!tpu.dma_semaphore, #tpu.memory_space<semaphore_mem>>) src(%dma_wait3A_158 : memref<80x128xi32, #tpu.memory_space<hbm>>) dst(%arg8 : memref<80x128xi32, #tpu.memory_space<vmem>>)
      tpu.yield
    }) : () -> ()
    %mul3A = arith.constant 4 : i32
    %mul3A_0 = arith.muli %arg0, %mul3A : i32
    %add3A = arith.constant 0 : i32
    %add3A_1 = arith.addi %mul3A_0, %add3A : i32
    %mul3A_2 = arith.constant 10000 : i32
    %mul3A_3 = arith.muli %add3A_1, %mul3A_2 : i32
    %mul3A_4 = arith.constant 624 : i32
    %mul3A_5 = arith.muli %arg1, %mul3A_4 : i32
    %add3A_6 = arith.addi %mul3A_3, %mul3A_5 : i32
    %mul3A_7 = arith.constant 624 : i32
    %mul3A_8 = arith.muli %arg1, %mul3A_7 : i32
    "tpu.region"() ({
      %run_scoped3A = tpu.sem_alloc : memref<!tpu.dma_semaphore, #tpu.memory_space<semaphore_mem>>
      %dma_start3A = arith.constant 0 : i32
      %dma_start3A_145 = tpu.memref_slice %arg6[%mul3A_8, %dma_start3A] : memref<10016x128xf32, #tpu.memory_space<vmem_shared>> -> memref<624x128xf32, #tpu.memory_space<vmem_shared>>
      %dma_start3A_146 = arith.constant 0 : i32
      %dma_start3A_147 = tpu.memref_slice %arg2[%add3A_6, %dma_start3A_146] : memref<80000x128xf32, #tpu.memory_space<hbm>> -> memref<624x128xf32, #tpu.memory_space<hbm>>
      tpu.enqueue_dma source(%dma_start3A_147 : memref<624x128xf32, #tpu.memory_space<hbm>>) target(%dma_start3A_145 : memref<624x128xf32, #tpu.memory_space<vmem_shared>>) target_semaphore(%run_scoped3A : memref<!tpu.dma_semaphore, #tpu.memory_space<semaphore_mem>>)
      %dma_wait3A = arith.constant 0 : i32
      %dma_wait3A_148 = tpu.memref_slice %arg6[%mul3A_8, %dma_wait3A] : memref<10016x128xf32, #tpu.memory_space<vmem_shared>> -> memref<624x128xf32, #tpu.memory_space<vmem_shared>>
      %dma_wait3A_149 = arith.constant 0 : i32
      %dma_wait3A_150 = tpu.memref_slice %arg2[%add3A_6, %dma_wait3A_149] : memref<80000x128xf32, #tpu.memory_space<hbm>> -> memref<624x128xf32, #tpu.memory_space<hbm>>
      tpu.wait_dma2 semaphore(%run_scoped3A : memref<!tpu.dma_semaphore, #tpu.memory_space<semaphore_mem>>) src(%dma_wait3A_150 : memref<624x128xf32, #tpu.memory_space<hbm>>) dst(%dma_wait3A_148 : memref<624x128xf32, #tpu.memory_space<vmem_shared>>)
      tpu.yield
    }) : () -> ()
    %eq3A = arith.constant 0 : i32
    %eq3A_9 = arith.cmpi eq, %arg1, %eq3A : i32
    %convert_element_type3A = arith.extui %eq3A_9 : i1 to i32
    %cond3A = arith.constant 0 : i32
    %cond3A_10 = arith.cmpi ne, %convert_element_type3A, %cond3A : i32
    scf.if %cond3A_10 {
      %add3A_145 = arith.constant 9984 : i32
      %add3A_146 = arith.addi %mul3A_3, %add3A_145 : i32
      "tpu.region"() ({
        %run_scoped3A = tpu.sem_alloc : memref<!tpu.dma_semaphore, #tpu.memory_space<semaphore_mem>>
        %dma_start3A = arith.constant 9984 : i32
        %dma_start3A_147 = arith.constant 0 : i32
        %dma_start3A_148 = tpu.memref_slice %arg6[%dma_start3A, %dma_start3A_147] : memref<10016x128xf32, #tpu.memory_space<vmem_shared>> -> memref<16x128xf32, #tpu.memory_space<vmem_shared>>
        %dma_start3A_149 = arith.constant 0 : i32
        %dma_start3A_150 = tpu.memref_slice %arg2[%add3A_146, %dma_start3A_149] : memref<80000x128xf32, #tpu.memory_space<hbm>> -> memref<16x128xf32, #tpu.memory_space<hbm>>
        tpu.enqueue_dma source(%dma_start3A_150 : memref<16x128xf32, #tpu.memory_space<hbm>>) target(%dma_start3A_148 : memref<16x128xf32, #tpu.memory_space<vmem_shared>>) target_semaphore(%run_scoped3A : memref<!tpu.dma_semaphore, #tpu.memory_space<semaphore_mem>>)
        %dma_wait3A = arith.constant 9984 : i32
        %dma_wait3A_151 = arith.constant 0 : i32
        %dma_wait3A_152 = tpu.memref_slice %arg6[%dma_wait3A, %dma_wait3A_151] : memref<10016x128xf32, #tpu.memory_space<vmem_shared>> -> memref<16x128xf32, #tpu.memory_space<vmem_shared>>
        %dma_wait3A_153 = arith.constant 0 : i32
        %dma_wait3A_154 = tpu.memref_slice %arg2[%add3A_146, %dma_wait3A_153] : memref<80000x128xf32, #tpu.memory_space<hbm>> -> memref<16x128xf32, #tpu.memory_space<hbm>>
        tpu.wait_dma2 semaphore(%run_scoped3A : memref<!tpu.dma_semaphore, #tpu.memory_space<semaphore_mem>>) src(%dma_wait3A_154 : memref<16x128xf32, #tpu.memory_space<hbm>>) dst(%dma_wait3A_152 : memref<16x128xf32, #tpu.memory_space<vmem_shared>>)
        tpu.yield
      }) : () -> ()
    } else {
    }
    %mul3A_11 = arith.constant 16 : i32
    %mul3A_12 = arith.muli %add3A_1, %mul3A_11 : i32
    %add3A_13 = arith.addi %mul3A_12, %arg1 : i32
    "tpu.region"() ({
      %run_scoped3A = tpu.sem_alloc : memref<!tpu.dma_semaphore, #tpu.memory_space<semaphore_mem>>
      %dma_start3A = arith.constant 0 : i32
      %dma_start3A_145 = arith.constant 0 : i32
      %dma_start3A_146 = tpu.memref_slice %arg3[%add3A_13, %dma_start3A, %dma_start3A_145] : memref<128x80x128xi32, #tpu.memory_space<hbm>> -> memref<1x80x128xi32, #tpu.memory_space<hbm>>
      %dma_start3A_147 = tpu.memref_squeeze %dma_start3A_146 : memref<1x80x128xi32, #tpu.memory_space<hbm>> -> memref<80x128xi32, #tpu.memory_space<hbm>>
      %dma_start3A_148 = arith.constant 0 : i32
      %dma_start3A_149 = arith.constant 0 : i32
      %dma_start3A_150 = tpu.memref_slice %arg3[%add3A_13, %dma_start3A_148, %dma_start3A_149] : memref<128x80x128xi32, #tpu.memory_space<hbm>> -> memref<1x80x128xi32, #tpu.memory_space<hbm>>
      %dma_start3A_151 = tpu.memref_squeeze %dma_start3A_150 : memref<1x80x128xi32, #tpu.memory_space<hbm>> -> memref<80x128xi32, #tpu.memory_space<hbm>>
      tpu.enqueue_dma source(%dma_start3A_151 : memref<80x128xi32, #tpu.memory_space<hbm>>) target(%arg7 : memref<80x128xi32, #tpu.memory_space<vmem>>) target_semaphore(%run_scoped3A : memref<!tpu.dma_semaphore, #tpu.memory_space<semaphore_mem>>)
      %dma_wait3A = arith.constant 0 : i32
      %dma_wait3A_152 = arith.constant 0 : i32
      %dma_wait3A_153 = tpu.memref_slice %arg3[%add3A_13, %dma_wait3A, %dma_wait3A_152] : memref<128x80x128xi32, #tpu.memory_space<hbm>> -> memref<1x80x128xi32, #tpu.memory_space<hbm>>
      %dma_wait3A_154 = tpu.memref_squeeze %dma_wait3A_153 : memref<1x80x128xi32, #tpu.memory_space<hbm>> -> memref<80x128xi32, #tpu.memory_space<hbm>>
      %dma_wait3A_155 = arith.constant 0 : i32
      %dma_wait3A_156 = arith.constant 0 : i32
      %dma_wait3A_157 = tpu.memref_slice %arg3[%add3A_13, %dma_wait3A_155, %dma_wait3A_156] : memref<128x80x128xi32, #tpu.memory_space<hbm>> -> memref<1x80x128xi32, #tpu.memory_space<hbm>>
      %dma_wait3A_158 = tpu.memref_squeeze %dma_wait3A_157 : memref<1x80x128xi32, #tpu.memory_space<hbm>> -> memref<80x128xi32, #tpu.memory_space<hbm>>
      tpu.wait_dma2 semaphore(%run_scoped3A : memref<!tpu.dma_semaphore, #tpu.memory_space<semaphore_mem>>) src(%dma_wait3A_158 : memref<80x128xi32, #tpu.memory_space<hbm>>) dst(%arg7 : memref<80x128xi32, #tpu.memory_space<vmem>>)
      tpu.yield
    }) : () -> ()
    %barrier3A = arith.constant 0 : index
    tpu.barrier barrier_id(%barrier3A)
    %scan3A = arith.constant 0 : i32
    %scan3A_14 = arith.constant 0 : i32
    %scan3A_15 = arith.constant 80 : i32
    %scan3A_16 = arith.addi %scan3A_14, %scan3A_15 : i32
    %scan3A_17 = arith.constant 1 : i32
    scf.for %scan3A_145 = %scan3A_14 to %scan3A_16 step %scan3A_17  : i32 {
      %dma_start3A = arith.constant 0 : i32
      %dma_start3A_146 = tpu.memref_slice %arg7[%scan3A_145, %dma_start3A] : memref<80x128xi32, #tpu.memory_space<vmem>> -> memref<1x128xi32, #tpu.memory_space<vmem>>
      %dma_start3A_147 = tpu.memref_squeeze %dma_start3A_146 : memref<1x128xi32, #tpu.memory_space<vmem>> -> memref<128xi32, #tpu.memory_space<vmem>>
      %dma_start3A_148 = arith.constant 0 : i32
      %dma_start3A_149 = arith.constant 0 : i32
      %dma_start3A_150 = tpu.memref_slice %arg2[%dma_start3A_148, %dma_start3A_149] : memref<80000x128xf32, #tpu.memory_space<hbm>> -> memref<80000x128xf32, #tpu.memory_space<hbm>>
      tpu.enqueue_indirect_dma source(%dma_start3A_150 : memref<80000x128xf32, #tpu.memory_space<hbm>>) target(%arg9 : memref<128x128xf32, #tpu.memory_space<vmem>>) offsets(%dma_start3A_147 : memref<128xi32, #tpu.memory_space<vmem>>) semaphore(%arg10 : memref<!tpu.dma_semaphore, #tpu.memory_space<semaphore_mem>>)
      %dma_wait3A = arith.constant 0 : i32
      %dma_wait3A_151 = tpu.memref_slice %arg7[%scan3A_145, %dma_wait3A] : memref<80x128xi32, #tpu.memory_space<vmem>> -> memref<1x128xi32, #tpu.memory_space<vmem>>
      %dma_wait3A_152 = tpu.memref_squeeze %dma_wait3A_151 : memref<1x128xi32, #tpu.memory_space<vmem>> -> memref<128xi32, #tpu.memory_space<vmem>>
      %dma_wait3A_153 = arith.constant 0 : i32
      %dma_wait3A_154 = arith.constant 0 : i32
      %dma_wait3A_155 = tpu.memref_slice %arg2[%dma_wait3A_153, %dma_wait3A_154] : memref<80000x128xf32, #tpu.memory_space<hbm>> -> memref<80000x128xf32, #tpu.memory_space<hbm>>
      tpu.wait_indirect_dma semaphore(%arg10 : memref<!tpu.dma_semaphore, #tpu.memory_space<semaphore_mem>>) src(%dma_wait3A_155 : memref<80000x128xf32, #tpu.memory_space<hbm>>) dst(%arg9 : memref<128x128xf32, #tpu.memory_space<vmem>>)
    }
    %scan3A_18 = arith.constant 80 : i32
    %barrier3A_19 = arith.constant 0 : index
    tpu.barrier barrier_id(%barrier3A_19)
    %mul3A_20 = arith.constant 624 : i32
    %mul3A_21 = arith.muli %arg1, %mul3A_20 : i32
    %mul3A_22 = arith.constant 624 : i32
    %mul3A_23 = arith.muli %arg1, %mul3A_22 : i32
    %add3A_24 = arith.addi %mul3A_3, %mul3A_23 : i32
    "tpu.region"() ({
      %run_scoped3A = tpu.sem_alloc : memref<!tpu.dma_semaphore, #tpu.memory_space<semaphore_mem>>
      %dma_start3A = arith.constant 0 : i32
      %dma_start3A_145 = tpu.memref_slice %arg5[%add3A_24, %dma_start3A] : memref<80000x128xf32, #tpu.memory_space<hbm>> -> memref<624x128xf32, #tpu.memory_space<hbm>>
      %dma_start3A_146 = arith.constant 0 : i32
      %dma_start3A_147 = tpu.memref_slice %arg6[%mul3A_21, %dma_start3A_146] : memref<10016x128xf32, #tpu.memory_space<vmem_shared>> -> memref<624x128xf32, #tpu.memory_space<vmem_shared>>
      tpu.enqueue_dma source(%dma_start3A_147 : memref<624x128xf32, #tpu.memory_space<vmem_shared>>) target(%dma_start3A_145 : memref<624x128xf32, #tpu.memory_space<hbm>>) target_semaphore(%run_scoped3A : memref<!tpu.dma_semaphore, #tpu.memory_space<semaphore_mem>>)
      %dma_wait3A = arith.constant 0 : i32
      %dma_wait3A_148 = tpu.memref_slice %arg5[%add3A_24, %dma_wait3A] : memref<80000x128xf32, #tpu.memory_space<hbm>> -> memref<624x128xf32, #tpu.memory_space<hbm>>
      %dma_wait3A_149 = arith.constant 0 : i32
      %dma_wait3A_150 = tpu.memref_slice %arg6[%mul3A_21, %dma_wait3A_149] : memref<10016x128xf32, #tpu.memory_space<vmem_shared>> -> memref<624x128xf32, #tpu.memory_space<vmem_shared>>
      tpu.wait_dma2 semaphore(%run_scoped3A : memref<!tpu.dma_semaphore, #tpu.memory_space<semaphore_mem>>) src(%dma_wait3A_150 : memref<624x128xf32, #tpu.memory_space<vmem_shared>>) dst(%dma_wait3A_148 : memref<624x128xf32, #tpu.memory_space<hbm>>)
      tpu.yield
    }) : () -> ()
    %eq3A_25 = arith.constant 0 : i32
    %eq3A_26 = arith.cmpi eq, %arg1, %eq3A_25 : i32
    %convert_element_type3A_27 = arith.extui %eq3A_26 : i1 to i32
    %cond3A_28 = arith.constant 0 : i32
    %cond3A_29 = arith.cmpi ne, %convert_element_type3A_27, %cond3A_28 : i32
    scf.if %cond3A_29 {
      %add3A_145 = arith.constant 9984 : i32
      %add3A_146 = arith.addi %mul3A_3, %add3A_145 : i32
      "tpu.region"() ({
        %run_scoped3A = tpu.sem_alloc : memref<!tpu.dma_semaphore, #tpu.memory_space<semaphore_mem>>
        %dma_start3A = arith.constant 0 : i32
        %dma_start3A_147 = tpu.memref_slice %arg5[%add3A_146, %dma_start3A] : memref<80000x128xf32, #tpu.memory_space<hbm>> -> memref<16x128xf32, #tpu.memory_space<hbm>>
        %dma_start3A_148 = arith.constant 9984 : i32
        %dma_start3A_149 = arith.constant 0 : i32
        %dma_start3A_150 = tpu.memref_slice %arg6[%dma_start3A_148, %dma_start3A_149] : memref<10016x128xf32, #tpu.memory_space<vmem_shared>> -> memref<16x128xf32, #tpu.memory_space<vmem_shared>>
        tpu.enqueue_dma source(%dma_start3A_150 : memref<16x128xf32, #tpu.memory_space<vmem_shared>>) target(%dma_start3A_147 : memref<16x128xf32, #tpu.memory_space<hbm>>) target_semaphore(%run_scoped3A : memref<!tpu.dma_semaphore, #tpu.memory_space<semaphore_mem>>)
        %dma_wait3A = arith.constant 0 : i32
        %dma_wait3A_151 = tpu.memref_slice %arg5[%add3A_146, %dma_wait3A] : memref<80000x128xf32, #tpu.memory_space<hbm>> -> memref<16x128xf32, #tpu.memory_space<hbm>>
        %dma_wait3A_152 = arith.constant 9984 : i32
        %dma_wait3A_153 = arith.constant 0 : i32
        %dma_wait3A_154 = tpu.memref_slice %arg6[%dma_wait3A_152, %dma_wait3A_153] : memref<10016x128xf32, #tpu.memory_space<vmem_shared>> -> memref<16x128xf32, #tpu.memory_space<vmem_shared>>
        tpu.wait_dma2 semaphore(%run_scoped3A : memref<!tpu.dma_semaphore, #tpu.memory_space<semaphore_mem>>) src(%dma_wait3A_154 : memref<16x128xf32, #tpu.memory_space<vmem_shared>>) dst(%dma_wait3A_151 : memref<16x128xf32, #tpu.memory_space<hbm>>)
        tpu.yield
      }) : () -> ()
    } else {
    }
    %barrier3A_30 = arith.constant 0 : index
    tpu.barrier barrier_id(%barrier3A_30)
    %mul3A_31 = arith.constant 4 : i32
    %mul3A_32 = arith.muli %arg0, %mul3A_31 : i32
    %add3A_33 = arith.constant 1 : i32
    %add3A_34 = arith.addi %mul3A_32, %add3A_33 : i32
    %mul3A_35 = arith.constant 10000 : i32
    %mul3A_36 = arith.muli %add3A_34, %mul3A_35 : i32
    %mul3A_37 = arith.constant 624 : i32
    %mul3A_38 = arith.muli %arg1, %mul3A_37 : i32
    %add3A_39 = arith.addi %mul3A_36, %mul3A_38 : i32
    %mul3A_40 = arith.constant 624 : i32
    %mul3A_41 = arith.muli %arg1, %mul3A_40 : i32
    "tpu.region"() ({
      %run_scoped3A = tpu.sem_alloc : memref<!tpu.dma_semaphore, #tpu.memory_space<semaphore_mem>>
      %dma_start3A = arith.constant 0 : i32
      %dma_start3A_145 = tpu.memref_slice %arg6[%mul3A_41, %dma_start3A] : memref<10016x128xf32, #tpu.memory_space<vmem_shared>> -> memref<624x128xf32, #tpu.memory_space<vmem_shared>>
      %dma_start3A_146 = arith.constant 0 : i32
      %dma_start3A_147 = tpu.memref_slice %arg2[%add3A_39, %dma_start3A_146] : memref<80000x128xf32, #tpu.memory_space<hbm>> -> memref<624x128xf32, #tpu.memory_space<hbm>>
      tpu.enqueue_dma source(%dma_start3A_147 : memref<624x128xf32, #tpu.memory_space<hbm>>) target(%dma_start3A_145 : memref<624x128xf32, #tpu.memory_space<vmem_shared>>) target_semaphore(%run_scoped3A : memref<!tpu.dma_semaphore, #tpu.memory_space<semaphore_mem>>)
      %dma_wait3A = arith.constant 0 : i32
      %dma_wait3A_148 = tpu.memref_slice %arg6[%mul3A_41, %dma_wait3A] : memref<10016x128xf32, #tpu.memory_space<vmem_shared>> -> memref<624x128xf32, #tpu.memory_space<vmem_shared>>
      %dma_wait3A_149 = arith.constant 0 : i32
      %dma_wait3A_150 = tpu.memref_slice %arg2[%add3A_39, %dma_wait3A_149] : memref<80000x128xf32, #tpu.memory_space<hbm>> -> memref<624x128xf32, #tpu.memory_space<hbm>>
      tpu.wait_dma2 semaphore(%run_scoped3A : memref<!tpu.dma_semaphore, #tpu.memory_space<semaphore_mem>>) src(%dma_wait3A_150 : memref<624x128xf32, #tpu.memory_space<hbm>>) dst(%dma_wait3A_148 : memref<624x128xf32, #tpu.memory_space<vmem_shared>>)
      tpu.yield
    }) : () -> ()
    %eq3A_42 = arith.constant 0 : i32
    %eq3A_43 = arith.cmpi eq, %arg1, %eq3A_42 : i32
    %convert_element_type3A_44 = arith.extui %eq3A_43 : i1 to i32
    %cond3A_45 = arith.constant 0 : i32
    %cond3A_46 = arith.cmpi ne, %convert_element_type3A_44, %cond3A_45 : i32
    scf.if %cond3A_46 {
      %add3A_145 = arith.constant 9984 : i32
      %add3A_146 = arith.addi %mul3A_36, %add3A_145 : i32
      "tpu.region"() ({
        %run_scoped3A = tpu.sem_alloc : memref<!tpu.dma_semaphore, #tpu.memory_space<semaphore_mem>>
        %dma_start3A = arith.constant 9984 : i32
        %dma_start3A_147 = arith.constant 0 : i32
        %dma_start3A_148 = tpu.memref_slice %arg6[%dma_start3A, %dma_start3A_147] : memref<10016x128xf32, #tpu.memory_space<vmem_shared>> -> memref<16x128xf32, #tpu.memory_space<vmem_shared>>
        %dma_start3A_149 = arith.constant 0 : i32
        %dma_start3A_150 = tpu.memref_slice %arg2[%add3A_146, %dma_start3A_149] : memref<80000x128xf32, #tpu.memory_space<hbm>> -> memref<16x128xf32, #tpu.memory_space<hbm>>
        tpu.enqueue_dma source(%dma_start3A_150 : memref<16x128xf32, #tpu.memory_space<hbm>>) target(%dma_start3A_148 : memref<16x128xf32, #tpu.memory_space<vmem_shared>>) target_semaphore(%run_scoped3A : memref<!tpu.dma_semaphore, #tpu.memory_space<semaphore_mem>>)
        %dma_wait3A = arith.constant 9984 : i32
        %dma_wait3A_151 = arith.constant 0 : i32
        %dma_wait3A_152 = tpu.memref_slice %arg6[%dma_wait3A, %dma_wait3A_151] : memref<10016x128xf32, #tpu.memory_space<vmem_shared>> -> memref<16x128xf32, #tpu.memory_space<vmem_shared>>
        %dma_wait3A_153 = arith.constant 0 : i32
        %dma_wait3A_154 = tpu.memref_slice %arg2[%add3A_146, %dma_wait3A_153] : memref<80000x128xf32, #tpu.memory_space<hbm>> -> memref<16x128xf32, #tpu.memory_space<hbm>>
        tpu.wait_dma2 semaphore(%run_scoped3A : memref<!tpu.dma_semaphore, #tpu.memory_space<semaphore_mem>>) src(%dma_wait3A_154 : memref<16x128xf32, #tpu.memory_space<hbm>>) dst(%dma_wait3A_152 : memref<16x128xf32, #tpu.memory_space<vmem_shared>>)
        tpu.yield
      }) : () -> ()
    } else {
    }
    %mul3A_47 = arith.constant 16 : i32
    %mul3A_48 = arith.muli %add3A_34, %mul3A_47 : i32
    %add3A_49 = arith.addi %mul3A_48, %arg1 : i32
    "tpu.region"() ({
      %run_scoped3A = tpu.sem_alloc : memref<!tpu.dma_semaphore, #tpu.memory_space<semaphore_mem>>
      %dma_start3A = arith.constant 0 : i32
      %dma_start3A_145 = arith.constant 0 : i32
      %dma_start3A_146 = tpu.memref_slice %arg3[%add3A_49, %dma_start3A, %dma_start3A_145] : memref<128x80x128xi32, #tpu.memory_space<hbm>> -> memref<1x80x128xi32, #tpu.memory_space<hbm>>
      %dma_start3A_147 = tpu.memref_squeeze %dma_start3A_146 : memref<1x80x128xi32, #tpu.memory_space<hbm>> -> memref<80x128xi32, #tpu.memory_space<hbm>>
      %dma_start3A_148 = arith.constant 0 : i32
      %dma_start3A_149 = arith.constant 0 : i32
      %dma_start3A_150 = tpu.memref_slice %arg3[%add3A_49, %dma_start3A_148, %dma_start3A_149] : memref<128x80x128xi32, #tpu.memory_space<hbm>> -> memref<1x80x128xi32, #tpu.memory_space<hbm>>
      %dma_start3A_151 = tpu.memref_squeeze %dma_start3A_150 : memref<1x80x128xi32, #tpu.memory_space<hbm>> -> memref<80x128xi32, #tpu.memory_space<hbm>>
      tpu.enqueue_dma source(%dma_start3A_151 : memref<80x128xi32, #tpu.memory_space<hbm>>) target(%arg7 : memref<80x128xi32, #tpu.memory_space<vmem>>) target_semaphore(%run_scoped3A : memref<!tpu.dma_semaphore, #tpu.memory_space<semaphore_mem>>)
      %dma_wait3A = arith.constant 0 : i32
      %dma_wait3A_152 = arith.constant 0 : i32
      %dma_wait3A_153 = tpu.memref_slice %arg3[%add3A_49, %dma_wait3A, %dma_wait3A_152] : memref<128x80x128xi32, #tpu.memory_space<hbm>> -> memref<1x80x128xi32, #tpu.memory_space<hbm>>
      %dma_wait3A_154 = tpu.memref_squeeze %dma_wait3A_153 : memref<1x80x128xi32, #tpu.memory_space<hbm>> -> memref<80x128xi32, #tpu.memory_space<hbm>>
      %dma_wait3A_155 = arith.constant 0 : i32
      %dma_wait3A_156 = arith.constant 0 : i32
      %dma_wait3A_157 = tpu.memref_slice %arg3[%add3A_49, %dma_wait3A_155, %dma_wait3A_156] : memref<128x80x128xi32, #tpu.memory_space<hbm>> -> memref<1x80x128xi32, #tpu.memory_space<hbm>>
      %dma_wait3A_158 = tpu.memref_squeeze %dma_wait3A_157 : memref<1x80x128xi32, #tpu.memory_space<hbm>> -> memref<80x128xi32, #tpu.memory_space<hbm>>
      tpu.wait_dma2 semaphore(%run_scoped3A : memref<!tpu.dma_semaphore, #tpu.memory_space<semaphore_mem>>) src(%dma_wait3A_158 : memref<80x128xi32, #tpu.memory_space<hbm>>) dst(%arg7 : memref<80x128xi32, #tpu.memory_space<vmem>>)
      tpu.yield
    }) : () -> ()
    %barrier3A_50 = arith.constant 0 : index
    tpu.barrier barrier_id(%barrier3A_50)
    %scan3A_51 = arith.constant 0 : i32
    %scan3A_52 = arith.constant 0 : i32
    %scan3A_53 = arith.constant 80 : i32
    %scan3A_54 = arith.addi %scan3A_52, %scan3A_53 : i32
    %scan3A_55 = arith.constant 1 : i32
    scf.for %scan3A_145 = %scan3A_52 to %scan3A_54 step %scan3A_55  : i32 {
      %dma_start3A = arith.constant 0 : i32
      %dma_start3A_146 = tpu.memref_slice %arg7[%scan3A_145, %dma_start3A] : memref<80x128xi32, #tpu.memory_space<vmem>> -> memref<1x128xi32, #tpu.memory_space<vmem>>
      %dma_start3A_147 = tpu.memref_squeeze %dma_start3A_146 : memref<1x128xi32, #tpu.memory_space<vmem>> -> memref<128xi32, #tpu.memory_space<vmem>>
      %dma_start3A_148 = arith.constant 0 : i32
      %dma_start3A_149 = arith.constant 0 : i32
      %dma_start3A_150 = tpu.memref_slice %arg2[%dma_start3A_148, %dma_start3A_149] : memref<80000x128xf32, #tpu.memory_space<hbm>> -> memref<80000x128xf32, #tpu.memory_space<hbm>>
      tpu.enqueue_indirect_dma source(%dma_start3A_150 : memref<80000x128xf32, #tpu.memory_space<hbm>>) target(%arg9 : memref<128x128xf32, #tpu.memory_space<vmem>>) offsets(%dma_start3A_147 : memref<128xi32, #tpu.memory_space<vmem>>) semaphore(%arg10 : memref<!tpu.dma_semaphore, #tpu.memory_space<semaphore_mem>>)
      %dma_wait3A = arith.constant 0 : i32
      %dma_wait3A_151 = tpu.memref_slice %arg7[%scan3A_145, %dma_wait3A] : memref<80x128xi32, #tpu.memory_space<vmem>> -> memref<1x128xi32, #tpu.memory_space<vmem>>
      %dma_wait3A_152 = tpu.memref_squeeze %dma_wait3A_151 : memref<1x128xi32, #tpu.memory_space<vmem>> -> memref<128xi32, #tpu.memory_space<vmem>>
      %dma_wait3A_153 = arith.constant 0 : i32
      %dma_wait3A_154 = arith.constant 0 : i32
      %dma_wait3A_155 = tpu.memref_slice %arg2[%dma_wait3A_153, %dma_wait3A_154] : memref<80000x128xf32, #tpu.memory_space<hbm>> -> memref<80000x128xf32, #tpu.memory_space<hbm>>
      tpu.wait_indirect_dma semaphore(%arg10 : memref<!tpu.dma_semaphore, #tpu.memory_space<semaphore_mem>>) src(%dma_wait3A_155 : memref<80000x128xf32, #tpu.memory_space<hbm>>) dst(%arg9 : memref<128x128xf32, #tpu.memory_space<vmem>>)
    }
    %scan3A_56 = arith.constant 80 : i32
    %barrier3A_57 = arith.constant 0 : index
    tpu.barrier barrier_id(%barrier3A_57)
    %mul3A_58 = arith.constant 624 : i32
    %mul3A_59 = arith.muli %arg1, %mul3A_58 : i32
    %mul3A_60 = arith.constant 624 : i32
    %mul3A_61 = arith.muli %arg1, %mul3A_60 : i32
    %add3A_62 = arith.addi %mul3A_36, %mul3A_61 : i32
    "tpu.region"() ({
      %run_scoped3A = tpu.sem_alloc : memref<!tpu.dma_semaphore, #tpu.memory_space<semaphore_mem>>
      %dma_start3A = arith.constant 0 : i32
      %dma_start3A_145 = tpu.memref_slice %arg5[%add3A_62, %dma_start3A] : memref<80000x128xf32, #tpu.memory_space<hbm>> -> memref<624x128xf32, #tpu.memory_space<hbm>>
      %dma_start3A_146 = arith.constant 0 : i32
      %dma_start3A_147 = tpu.memref_slice %arg6[%mul3A_59, %dma_start3A_146] : memref<10016x128xf32, #tpu.memory_space<vmem_shared>> -> memref<624x128xf32, #tpu.memory_space<vmem_shared>>
      tpu.enqueue_dma source(%dma_start3A_147 : memref<624x128xf32, #tpu.memory_space<vmem_shared>>) target(%dma_start3A_145 : memref<624x128xf32, #tpu.memory_space<hbm>>) target_semaphore(%run_scoped3A : memref<!tpu.dma_semaphore, #tpu.memory_space<semaphore_mem>>)
      %dma_wait3A = arith.constant 0 : i32
      %dma_wait3A_148 = tpu.memref_slice %arg5[%add3A_62, %dma_wait3A] : memref<80000x128xf32, #tpu.memory_space<hbm>> -> memref<624x128xf32, #tpu.memory_space<hbm>>
      %dma_wait3A_149 = arith.constant 0 : i32
      %dma_wait3A_150 = tpu.memref_slice %arg6[%mul3A_59, %dma_wait3A_149] : memref<10016x128xf32, #tpu.memory_space<vmem_shared>> -> memref<624x128xf32, #tpu.memory_space<vmem_shared>>
      tpu.wait_dma2 semaphore(%run_scoped3A : memref<!tpu.dma_semaphore, #tpu.memory_space<semaphore_mem>>) src(%dma_wait3A_150 : memref<624x128xf32, #tpu.memory_space<vmem_shared>>) dst(%dma_wait3A_148 : memref<624x128xf32, #tpu.memory_space<hbm>>)
      tpu.yield
    }) : () -> ()
    %eq3A_63 = arith.constant 0 : i32
    %eq3A_64 = arith.cmpi eq, %arg1, %eq3A_63 : i32
    %convert_element_type3A_65 = arith.extui %eq3A_64 : i1 to i32
    %cond3A_66 = arith.constant 0 : i32
    %cond3A_67 = arith.cmpi ne, %convert_element_type3A_65, %cond3A_66 : i32
    scf.if %cond3A_67 {
      %add3A_145 = arith.constant 9984 : i32
      %add3A_146 = arith.addi %mul3A_36, %add3A_145 : i32
      "tpu.region"() ({
        %run_scoped3A = tpu.sem_alloc : memref<!tpu.dma_semaphore, #tpu.memory_space<semaphore_mem>>
        %dma_start3A = arith.constant 0 : i32
        %dma_start3A_147 = tpu.memref_slice %arg5[%add3A_146, %dma_start3A] : memref<80000x128xf32, #tpu.memory_space<hbm>> -> memref<16x128xf32, #tpu.memory_space<hbm>>
        %dma_start3A_148 = arith.constant 9984 : i32
        %dma_start3A_149 = arith.constant 0 : i32
        %dma_start3A_150 = tpu.memref_slice %arg6[%dma_start3A_148, %dma_start3A_149] : memref<10016x128xf32, #tpu.memory_space<vmem_shared>> -> memref<16x128xf32, #tpu.memory_space<vmem_shared>>
        tpu.enqueue_dma source(%dma_start3A_150 : memref<16x128xf32, #tpu.memory_space<vmem_shared>>) target(%dma_start3A_147 : memref<16x128xf32, #tpu.memory_space<hbm>>) target_semaphore(%run_scoped3A : memref<!tpu.dma_semaphore, #tpu.memory_space<semaphore_mem>>)
        %dma_wait3A = arith.constant 0 : i32
        %dma_wait3A_151 = tpu.memref_slice %arg5[%add3A_146, %dma_wait3A] : memref<80000x128xf32, #tpu.memory_space<hbm>> -> memref<16x128xf32, #tpu.memory_space<hbm>>
        %dma_wait3A_152 = arith.constant 9984 : i32
        %dma_wait3A_153 = arith.constant 0 : i32
        %dma_wait3A_154 = tpu.memref_slice %arg6[%dma_wait3A_152, %dma_wait3A_153] : memref<10016x128xf32, #tpu.memory_space<vmem_shared>> -> memref<16x128xf32, #tpu.memory_space<vmem_shared>>
        tpu.wait_dma2 semaphore(%run_scoped3A : memref<!tpu.dma_semaphore, #tpu.memory_space<semaphore_mem>>) src(%dma_wait3A_154 : memref<16x128xf32, #tpu.memory_space<vmem_shared>>) dst(%dma_wait3A_151 : memref<16x128xf32, #tpu.memory_space<hbm>>)
        tpu.yield
      }) : () -> ()
    } else {
    }
    %barrier3A_68 = arith.constant 0 : index
    tpu.barrier barrier_id(%barrier3A_68)
    %mul3A_69 = arith.constant 4 : i32
    %mul3A_70 = arith.muli %arg0, %mul3A_69 : i32
    %add3A_71 = arith.constant 2 : i32
    %add3A_72 = arith.addi %mul3A_70, %add3A_71 : i32
    %mul3A_73 = arith.constant 10000 : i32
    %mul3A_74 = arith.muli %add3A_72, %mul3A_73 : i32
    %mul3A_75 = arith.constant 624 : i32
    %mul3A_76 = arith.muli %arg1, %mul3A_75 : i32
    %add3A_77 = arith.addi %mul3A_74, %mul3A_76 : i32
    %mul3A_78 = arith.constant 624 : i32
    %mul3A_79 = arith.muli %arg1, %mul3A_78 : i32
    "tpu.region"() ({
      %run_scoped3A = tpu.sem_alloc : memref<!tpu.dma_semaphore, #tpu.memory_space<semaphore_mem>>
      %dma_start3A = arith.constant 0 : i32
      %dma_start3A_145 = tpu.memref_slice %arg6[%mul3A_79, %dma_start3A] : memref<10016x128xf32, #tpu.memory_space<vmem_shared>> -> memref<624x128xf32, #tpu.memory_space<vmem_shared>>
      %dma_start3A_146 = arith.constant 0 : i32
      %dma_start3A_147 = tpu.memref_slice %arg2[%add3A_77, %dma_start3A_146] : memref<80000x128xf32, #tpu.memory_space<hbm>> -> memref<624x128xf32, #tpu.memory_space<hbm>>
      tpu.enqueue_dma source(%dma_start3A_147 : memref<624x128xf32, #tpu.memory_space<hbm>>) target(%dma_start3A_145 : memref<624x128xf32, #tpu.memory_space<vmem_shared>>) target_semaphore(%run_scoped3A : memref<!tpu.dma_semaphore, #tpu.memory_space<semaphore_mem>>)
      %dma_wait3A = arith.constant 0 : i32
      %dma_wait3A_148 = tpu.memref_slice %arg6[%mul3A_79, %dma_wait3A] : memref<10016x128xf32, #tpu.memory_space<vmem_shared>> -> memref<624x128xf32, #tpu.memory_space<vmem_shared>>
      %dma_wait3A_149 = arith.constant 0 : i32
      %dma_wait3A_150 = tpu.memref_slice %arg2[%add3A_77, %dma_wait3A_149] : memref<80000x128xf32, #tpu.memory_space<hbm>> -> memref<624x128xf32, #tpu.memory_space<hbm>>
      tpu.wait_dma2 semaphore(%run_scoped3A : memref<!tpu.dma_semaphore, #tpu.memory_space<semaphore_mem>>) src(%dma_wait3A_150 : memref<624x128xf32, #tpu.memory_space<hbm>>) dst(%dma_wait3A_148 : memref<624x128xf32, #tpu.memory_space<vmem_shared>>)
      tpu.yield
    }) : () -> ()
    %eq3A_80 = arith.constant 0 : i32
    %eq3A_81 = arith.cmpi eq, %arg1, %eq3A_80 : i32
    %convert_element_type3A_82 = arith.extui %eq3A_81 : i1 to i32
    %cond3A_83 = arith.constant 0 : i32
    %cond3A_84 = arith.cmpi ne, %convert_element_type3A_82, %cond3A_83 : i32
    scf.if %cond3A_84 {
      %add3A_145 = arith.constant 9984 : i32
      %add3A_146 = arith.addi %mul3A_74, %add3A_145 : i32
      "tpu.region"() ({
        %run_scoped3A = tpu.sem_alloc : memref<!tpu.dma_semaphore, #tpu.memory_space<semaphore_mem>>
        %dma_start3A = arith.constant 9984 : i32
        %dma_start3A_147 = arith.constant 0 : i32
        %dma_start3A_148 = tpu.memref_slice %arg6[%dma_start3A, %dma_start3A_147] : memref<10016x128xf32, #tpu.memory_space<vmem_shared>> -> memref<16x128xf32, #tpu.memory_space<vmem_shared>>
        %dma_start3A_149 = arith.constant 0 : i32
        %dma_start3A_150 = tpu.memref_slice %arg2[%add3A_146, %dma_start3A_149] : memref<80000x128xf32, #tpu.memory_space<hbm>> -> memref<16x128xf32, #tpu.memory_space<hbm>>
        tpu.enqueue_dma source(%dma_start3A_150 : memref<16x128xf32, #tpu.memory_space<hbm>>) target(%dma_start3A_148 : memref<16x128xf32, #tpu.memory_space<vmem_shared>>) target_semaphore(%run_scoped3A : memref<!tpu.dma_semaphore, #tpu.memory_space<semaphore_mem>>)
        %dma_wait3A = arith.constant 9984 : i32
        %dma_wait3A_151 = arith.constant 0 : i32
        %dma_wait3A_152 = tpu.memref_slice %arg6[%dma_wait3A, %dma_wait3A_151] : memref<10016x128xf32, #tpu.memory_space<vmem_shared>> -> memref<16x128xf32, #tpu.memory_space<vmem_shared>>
        %dma_wait3A_153 = arith.constant 0 : i32
        %dma_wait3A_154 = tpu.memref_slice %arg2[%add3A_146, %dma_wait3A_153] : memref<80000x128xf32, #tpu.memory_space<hbm>> -> memref<16x128xf32, #tpu.memory_space<hbm>>
        tpu.wait_dma2 semaphore(%run_scoped3A : memref<!tpu.dma_semaphore, #tpu.memory_space<semaphore_mem>>) src(%dma_wait3A_154 : memref<16x128xf32, #tpu.memory_space<hbm>>) dst(%dma_wait3A_152 : memref<16x128xf32, #tpu.memory_space<vmem_shared>>)
        tpu.yield
      }) : () -> ()
    } else {
    }
    %mul3A_85 = arith.constant 16 : i32
    %mul3A_86 = arith.muli %add3A_72, %mul3A_85 : i32
    %add3A_87 = arith.addi %mul3A_86, %arg1 : i32
    "tpu.region"() ({
      %run_scoped3A = tpu.sem_alloc : memref<!tpu.dma_semaphore, #tpu.memory_space<semaphore_mem>>
      %dma_start3A = arith.constant 0 : i32
      %dma_start3A_145 = arith.constant 0 : i32
      %dma_start3A_146 = tpu.memref_slice %arg3[%add3A_87, %dma_start3A, %dma_start3A_145] : memref<128x80x128xi32, #tpu.memory_space<hbm>> -> memref<1x80x128xi32, #tpu.memory_space<hbm>>
      %dma_start3A_147 = tpu.memref_squeeze %dma_start3A_146 : memref<1x80x128xi32, #tpu.memory_space<hbm>> -> memref<80x128xi32, #tpu.memory_space<hbm>>
      %dma_start3A_148 = arith.constant 0 : i32
      %dma_start3A_149 = arith.constant 0 : i32
      %dma_start3A_150 = tpu.memref_slice %arg3[%add3A_87, %dma_start3A_148, %dma_start3A_149] : memref<128x80x128xi32, #tpu.memory_space<hbm>> -> memref<1x80x128xi32, #tpu.memory_space<hbm>>
      %dma_start3A_151 = tpu.memref_squeeze %dma_start3A_150 : memref<1x80x128xi32, #tpu.memory_space<hbm>> -> memref<80x128xi32, #tpu.memory_space<hbm>>
      tpu.enqueue_dma source(%dma_start3A_151 : memref<80x128xi32, #tpu.memory_space<hbm>>) target(%arg7 : memref<80x128xi32, #tpu.memory_space<vmem>>) target_semaphore(%run_scoped3A : memref<!tpu.dma_semaphore, #tpu.memory_space<semaphore_mem>>)
      %dma_wait3A = arith.constant 0 : i32
      %dma_wait3A_152 = arith.constant 0 : i32
      %dma_wait3A_153 = tpu.memref_slice %arg3[%add3A_87, %dma_wait3A, %dma_wait3A_152] : memref<128x80x128xi32, #tpu.memory_space<hbm>> -> memref<1x80x128xi32, #tpu.memory_space<hbm>>
      %dma_wait3A_154 = tpu.memref_squeeze %dma_wait3A_153 : memref<1x80x128xi32, #tpu.memory_space<hbm>> -> memref<80x128xi32, #tpu.memory_space<hbm>>
      %dma_wait3A_155 = arith.constant 0 : i32
      %dma_wait3A_156 = arith.constant 0 : i32
      %dma_wait3A_157 = tpu.memref_slice %arg3[%add3A_87, %dma_wait3A_155, %dma_wait3A_156] : memref<128x80x128xi32, #tpu.memory_space<hbm>> -> memref<1x80x128xi32, #tpu.memory_space<hbm>>
      %dma_wait3A_158 = tpu.memref_squeeze %dma_wait3A_157 : memref<1x80x128xi32, #tpu.memory_space<hbm>> -> memref<80x128xi32, #tpu.memory_space<hbm>>
      tpu.wait_dma2 semaphore(%run_scoped3A : memref<!tpu.dma_semaphore, #tpu.memory_space<semaphore_mem>>) src(%dma_wait3A_158 : memref<80x128xi32, #tpu.memory_space<hbm>>) dst(%arg7 : memref<80x128xi32, #tpu.memory_space<vmem>>)
      tpu.yield
    }) : () -> ()
    %barrier3A_88 = arith.constant 0 : index
    tpu.barrier barrier_id(%barrier3A_88)
    %scan3A_89 = arith.constant 0 : i32
    %scan3A_90 = arith.constant 0 : i32
    %scan3A_91 = arith.constant 80 : i32
    %scan3A_92 = arith.addi %scan3A_90, %scan3A_91 : i32
    %scan3A_93 = arith.constant 1 : i32
    scf.for %scan3A_145 = %scan3A_90 to %scan3A_92 step %scan3A_93  : i32 {
      %dma_start3A = arith.constant 0 : i32
      %dma_start3A_146 = tpu.memref_slice %arg7[%scan3A_145, %dma_start3A] : memref<80x128xi32, #tpu.memory_space<vmem>> -> memref<1x128xi32, #tpu.memory_space<vmem>>
      %dma_start3A_147 = tpu.memref_squeeze %dma_start3A_146 : memref<1x128xi32, #tpu.memory_space<vmem>> -> memref<128xi32, #tpu.memory_space<vmem>>
      %dma_start3A_148 = arith.constant 0 : i32
      %dma_start3A_149 = arith.constant 0 : i32
      %dma_start3A_150 = tpu.memref_slice %arg2[%dma_start3A_148, %dma_start3A_149] : memref<80000x128xf32, #tpu.memory_space<hbm>> -> memref<80000x128xf32, #tpu.memory_space<hbm>>
      tpu.enqueue_indirect_dma source(%dma_start3A_150 : memref<80000x128xf32, #tpu.memory_space<hbm>>) target(%arg9 : memref<128x128xf32, #tpu.memory_space<vmem>>) offsets(%dma_start3A_147 : memref<128xi32, #tpu.memory_space<vmem>>) semaphore(%arg10 : memref<!tpu.dma_semaphore, #tpu.memory_space<semaphore_mem>>)
      %dma_wait3A = arith.constant 0 : i32
      %dma_wait3A_151 = tpu.memref_slice %arg7[%scan3A_145, %dma_wait3A] : memref<80x128xi32, #tpu.memory_space<vmem>> -> memref<1x128xi32, #tpu.memory_space<vmem>>
      %dma_wait3A_152 = tpu.memref_squeeze %dma_wait3A_151 : memref<1x128xi32, #tpu.memory_space<vmem>> -> memref<128xi32, #tpu.memory_space<vmem>>
      %dma_wait3A_153 = arith.constant 0 : i32
      %dma_wait3A_154 = arith.constant 0 : i32
      %dma_wait3A_155 = tpu.memref_slice %arg2[%dma_wait3A_153, %dma_wait3A_154] : memref<80000x128xf32, #tpu.memory_space<hbm>> -> memref<80000x128xf32, #tpu.memory_space<hbm>>
      tpu.wait_indirect_dma semaphore(%arg10 : memref<!tpu.dma_semaphore, #tpu.memory_space<semaphore_mem>>) src(%dma_wait3A_155 : memref<80000x128xf32, #tpu.memory_space<hbm>>) dst(%arg9 : memref<128x128xf32, #tpu.memory_space<vmem>>)
    }
    %scan3A_94 = arith.constant 80 : i32
    %barrier3A_95 = arith.constant 0 : index
    tpu.barrier barrier_id(%barrier3A_95)
    %mul3A_96 = arith.constant 624 : i32
    %mul3A_97 = arith.muli %arg1, %mul3A_96 : i32
    %mul3A_98 = arith.constant 624 : i32
    %mul3A_99 = arith.muli %arg1, %mul3A_98 : i32
    %add3A_100 = arith.addi %mul3A_74, %mul3A_99 : i32
    "tpu.region"() ({
      %run_scoped3A = tpu.sem_alloc : memref<!tpu.dma_semaphore, #tpu.memory_space<semaphore_mem>>
      %dma_start3A = arith.constant 0 : i32
      %dma_start3A_145 = tpu.memref_slice %arg5[%add3A_100, %dma_start3A] : memref<80000x128xf32, #tpu.memory_space<hbm>> -> memref<624x128xf32, #tpu.memory_space<hbm>>
      %dma_start3A_146 = arith.constant 0 : i32
      %dma_start3A_147 = tpu.memref_slice %arg6[%mul3A_97, %dma_start3A_146] : memref<10016x128xf32, #tpu.memory_space<vmem_shared>> -> memref<624x128xf32, #tpu.memory_space<vmem_shared>>
      tpu.enqueue_dma source(%dma_start3A_147 : memref<624x128xf32, #tpu.memory_space<vmem_shared>>) target(%dma_start3A_145 : memref<624x128xf32, #tpu.memory_space<hbm>>) target_semaphore(%run_scoped3A : memref<!tpu.dma_semaphore, #tpu.memory_space<semaphore_mem>>)
      %dma_wait3A = arith.constant 0 : i32
      %dma_wait3A_148 = tpu.memref_slice %arg5[%add3A_100, %dma_wait3A] : memref<80000x128xf32, #tpu.memory_space<hbm>> -> memref<624x128xf32, #tpu.memory_space<hbm>>
      %dma_wait3A_149 = arith.constant 0 : i32
      %dma_wait3A_150 = tpu.memref_slice %arg6[%mul3A_97, %dma_wait3A_149] : memref<10016x128xf32, #tpu.memory_space<vmem_shared>> -> memref<624x128xf32, #tpu.memory_space<vmem_shared>>
      tpu.wait_dma2 semaphore(%run_scoped3A : memref<!tpu.dma_semaphore, #tpu.memory_space<semaphore_mem>>) src(%dma_wait3A_150 : memref<624x128xf32, #tpu.memory_space<vmem_shared>>) dst(%dma_wait3A_148 : memref<624x128xf32, #tpu.memory_space<hbm>>)
      tpu.yield
    }) : () -> ()
    %eq3A_101 = arith.constant 0 : i32
    %eq3A_102 = arith.cmpi eq, %arg1, %eq3A_101 : i32
    %convert_element_type3A_103 = arith.extui %eq3A_102 : i1 to i32
    %cond3A_104 = arith.constant 0 : i32
    %cond3A_105 = arith.cmpi ne, %convert_element_type3A_103, %cond3A_104 : i32
    scf.if %cond3A_105 {
      %add3A_145 = arith.constant 9984 : i32
      %add3A_146 = arith.addi %mul3A_74, %add3A_145 : i32
      "tpu.region"() ({
        %run_scoped3A = tpu.sem_alloc : memref<!tpu.dma_semaphore, #tpu.memory_space<semaphore_mem>>
        %dma_start3A = arith.constant 0 : i32
        %dma_start3A_147 = tpu.memref_slice %arg5[%add3A_146, %dma_start3A] : memref<80000x128xf32, #tpu.memory_space<hbm>> -> memref<16x128xf32, #tpu.memory_space<hbm>>
        %dma_start3A_148 = arith.constant 9984 : i32
        %dma_start3A_149 = arith.constant 0 : i32
        %dma_start3A_150 = tpu.memref_slice %arg6[%dma_start3A_148, %dma_start3A_149] : memref<10016x128xf32, #tpu.memory_space<vmem_shared>> -> memref<16x128xf32, #tpu.memory_space<vmem_shared>>
        tpu.enqueue_dma source(%dma_start3A_150 : memref<16x128xf32, #tpu.memory_space<vmem_shared>>) target(%dma_start3A_147 : memref<16x128xf32, #tpu.memory_space<hbm>>) target_semaphore(%run_scoped3A : memref<!tpu.dma_semaphore, #tpu.memory_space<semaphore_mem>>)
        %dma_wait3A = arith.constant 0 : i32
        %dma_wait3A_151 = tpu.memref_slice %arg5[%add3A_146, %dma_wait3A] : memref<80000x128xf32, #tpu.memory_space<hbm>> -> memref<16x128xf32, #tpu.memory_space<hbm>>
        %dma_wait3A_152 = arith.constant 9984 : i32
        %dma_wait3A_153 = arith.constant 0 : i32
        %dma_wait3A_154 = tpu.memref_slice %arg6[%dma_wait3A_152, %dma_wait3A_153] : memref<10016x128xf32, #tpu.memory_space<vmem_shared>> -> memref<16x128xf32, #tpu.memory_space<vmem_shared>>
        tpu.wait_dma2 semaphore(%run_scoped3A : memref<!tpu.dma_semaphore, #tpu.memory_space<semaphore_mem>>) src(%dma_wait3A_154 : memref<16x128xf32, #tpu.memory_space<vmem_shared>>) dst(%dma_wait3A_151 : memref<16x128xf32, #tpu.memory_space<hbm>>)
        tpu.yield
      }) : () -> ()
    } else {
    }
    %barrier3A_106 = arith.constant 0 : index
    tpu.barrier barrier_id(%barrier3A_106)
    %mul3A_107 = arith.constant 4 : i32
    %mul3A_108 = arith.muli %arg0, %mul3A_107 : i32
    %add3A_109 = arith.constant 3 : i32
    %add3A_110 = arith.addi %mul3A_108, %add3A_109 : i32
    %mul3A_111 = arith.constant 10000 : i32
    %mul3A_112 = arith.muli %add3A_110, %mul3A_111 : i32
    %mul3A_113 = arith.constant 624 : i32
    %mul3A_114 = arith.muli %arg1, %mul3A_113 : i32
    %add3A_115 = arith.addi %mul3A_112, %mul3A_114 : i32
    %mul3A_116 = arith.constant 624 : i32
    %mul3A_117 = arith.muli %arg1, %mul3A_116 : i32
    "tpu.region"() ({
      %run_scoped3A = tpu.sem_alloc : memref<!tpu.dma_semaphore, #tpu.memory_space<semaphore_mem>>
      %dma_start3A = arith.constant 0 : i32
      %dma_start3A_145 = tpu.memref_slice %arg6[%mul3A_117, %dma_start3A] : memref<10016x128xf32, #tpu.memory_space<vmem_shared>> -> memref<624x128xf32, #tpu.memory_space<vmem_shared>>
      %dma_start3A_146 = arith.constant 0 : i32
      %dma_start3A_147 = tpu.memref_slice %arg2[%add3A_115, %dma_start3A_146] : memref<80000x128xf32, #tpu.memory_space<hbm>> -> memref<624x128xf32, #tpu.memory_space<hbm>>
      tpu.enqueue_dma source(%dma_start3A_147 : memref<624x128xf32, #tpu.memory_space<hbm>>) target(%dma_start3A_145 : memref<624x128xf32, #tpu.memory_space<vmem_shared>>) target_semaphore(%run_scoped3A : memref<!tpu.dma_semaphore, #tpu.memory_space<semaphore_mem>>)
      %dma_wait3A = arith.constant 0 : i32
      %dma_wait3A_148 = tpu.memref_slice %arg6[%mul3A_117, %dma_wait3A] : memref<10016x128xf32, #tpu.memory_space<vmem_shared>> -> memref<624x128xf32, #tpu.memory_space<vmem_shared>>
      %dma_wait3A_149 = arith.constant 0 : i32
      %dma_wait3A_150 = tpu.memref_slice %arg2[%add3A_115, %dma_wait3A_149] : memref<80000x128xf32, #tpu.memory_space<hbm>> -> memref<624x128xf32, #tpu.memory_space<hbm>>
      tpu.wait_dma2 semaphore(%run_scoped3A : memref<!tpu.dma_semaphore, #tpu.memory_space<semaphore_mem>>) src(%dma_wait3A_150 : memref<624x128xf32, #tpu.memory_space<hbm>>) dst(%dma_wait3A_148 : memref<624x128xf32, #tpu.memory_space<vmem_shared>>)
      tpu.yield
    }) : () -> ()
    %eq3A_118 = arith.constant 0 : i32
    %eq3A_119 = arith.cmpi eq, %arg1, %eq3A_118 : i32
    %convert_element_type3A_120 = arith.extui %eq3A_119 : i1 to i32
    %cond3A_121 = arith.constant 0 : i32
    %cond3A_122 = arith.cmpi ne, %convert_element_type3A_120, %cond3A_121 : i32
    scf.if %cond3A_122 {
      %add3A_145 = arith.constant 9984 : i32
      %add3A_146 = arith.addi %mul3A_112, %add3A_145 : i32
      "tpu.region"() ({
        %run_scoped3A = tpu.sem_alloc : memref<!tpu.dma_semaphore, #tpu.memory_space<semaphore_mem>>
        %dma_start3A = arith.constant 9984 : i32
        %dma_start3A_147 = arith.constant 0 : i32
        %dma_start3A_148 = tpu.memref_slice %arg6[%dma_start3A, %dma_start3A_147] : memref<10016x128xf32, #tpu.memory_space<vmem_shared>> -> memref<16x128xf32, #tpu.memory_space<vmem_shared>>
        %dma_start3A_149 = arith.constant 0 : i32
        %dma_start3A_150 = tpu.memref_slice %arg2[%add3A_146, %dma_start3A_149] : memref<80000x128xf32, #tpu.memory_space<hbm>> -> memref<16x128xf32, #tpu.memory_space<hbm>>
        tpu.enqueue_dma source(%dma_start3A_150 : memref<16x128xf32, #tpu.memory_space<hbm>>) target(%dma_start3A_148 : memref<16x128xf32, #tpu.memory_space<vmem_shared>>) target_semaphore(%run_scoped3A : memref<!tpu.dma_semaphore, #tpu.memory_space<semaphore_mem>>)
        %dma_wait3A = arith.constant 9984 : i32
        %dma_wait3A_151 = arith.constant 0 : i32
        %dma_wait3A_152 = tpu.memref_slice %arg6[%dma_wait3A, %dma_wait3A_151] : memref<10016x128xf32, #tpu.memory_space<vmem_shared>> -> memref<16x128xf32, #tpu.memory_space<vmem_shared>>
        %dma_wait3A_153 = arith.constant 0 : i32
        %dma_wait3A_154 = tpu.memref_slice %arg2[%add3A_146, %dma_wait3A_153] : memref<80000x128xf32, #tpu.memory_space<hbm>> -> memref<16x128xf32, #tpu.memory_space<hbm>>
        tpu.wait_dma2 semaphore(%run_scoped3A : memref<!tpu.dma_semaphore, #tpu.memory_space<semaphore_mem>>) src(%dma_wait3A_154 : memref<16x128xf32, #tpu.memory_space<hbm>>) dst(%dma_wait3A_152 : memref<16x128xf32, #tpu.memory_space<vmem_shared>>)
        tpu.yield
      }) : () -> ()
    } else {
    }
    %mul3A_123 = arith.constant 16 : i32
    %mul3A_124 = arith.muli %add3A_110, %mul3A_123 : i32
    %add3A_125 = arith.addi %mul3A_124, %arg1 : i32
    "tpu.region"() ({
      %run_scoped3A = tpu.sem_alloc : memref<!tpu.dma_semaphore, #tpu.memory_space<semaphore_mem>>
      %dma_start3A = arith.constant 0 : i32
      %dma_start3A_145 = arith.constant 0 : i32
      %dma_start3A_146 = tpu.memref_slice %arg3[%add3A_125, %dma_start3A, %dma_start3A_145] : memref<128x80x128xi32, #tpu.memory_space<hbm>> -> memref<1x80x128xi32, #tpu.memory_space<hbm>>
      %dma_start3A_147 = tpu.memref_squeeze %dma_start3A_146 : memref<1x80x128xi32, #tpu.memory_space<hbm>> -> memref<80x128xi32, #tpu.memory_space<hbm>>
      %dma_start3A_148 = arith.constant 0 : i32
      %dma_start3A_149 = arith.constant 0 : i32
      %dma_start3A_150 = tpu.memref_slice %arg3[%add3A_125, %dma_start3A_148, %dma_start3A_149] : memref<128x80x128xi32, #tpu.memory_space<hbm>> -> memref<1x80x128xi32, #tpu.memory_space<hbm>>
      %dma_start3A_151 = tpu.memref_squeeze %dma_start3A_150 : memref<1x80x128xi32, #tpu.memory_space<hbm>> -> memref<80x128xi32, #tpu.memory_space<hbm>>
      tpu.enqueue_dma source(%dma_start3A_151 : memref<80x128xi32, #tpu.memory_space<hbm>>) target(%arg7 : memref<80x128xi32, #tpu.memory_space<vmem>>) target_semaphore(%run_scoped3A : memref<!tpu.dma_semaphore, #tpu.memory_space<semaphore_mem>>)
      %dma_wait3A = arith.constant 0 : i32
      %dma_wait3A_152 = arith.constant 0 : i32
      %dma_wait3A_153 = tpu.memref_slice %arg3[%add3A_125, %dma_wait3A, %dma_wait3A_152] : memref<128x80x128xi32, #tpu.memory_space<hbm>> -> memref<1x80x128xi32, #tpu.memory_space<hbm>>
      %dma_wait3A_154 = tpu.memref_squeeze %dma_wait3A_153 : memref<1x80x128xi32, #tpu.memory_space<hbm>> -> memref<80x128xi32, #tpu.memory_space<hbm>>
      %dma_wait3A_155 = arith.constant 0 : i32
      %dma_wait3A_156 = arith.constant 0 : i32
      %dma_wait3A_157 = tpu.memref_slice %arg3[%add3A_125, %dma_wait3A_155, %dma_wait3A_156] : memref<128x80x128xi32, #tpu.memory_space<hbm>> -> memref<1x80x128xi32, #tpu.memory_space<hbm>>
      %dma_wait3A_158 = tpu.memref_squeeze %dma_wait3A_157 : memref<1x80x128xi32, #tpu.memory_space<hbm>> -> memref<80x128xi32, #tpu.memory_space<hbm>>
      tpu.wait_dma2 semaphore(%run_scoped3A : memref<!tpu.dma_semaphore, #tpu.memory_space<semaphore_mem>>) src(%dma_wait3A_158 : memref<80x128xi32, #tpu.memory_space<hbm>>) dst(%arg7 : memref<80x128xi32, #tpu.memory_space<vmem>>)
      tpu.yield
    }) : () -> ()
    %barrier3A_126 = arith.constant 0 : index
    tpu.barrier barrier_id(%barrier3A_126)
    %scan3A_127 = arith.constant 0 : i32
    %scan3A_128 = arith.constant 0 : i32
    %scan3A_129 = arith.constant 80 : i32
    %scan3A_130 = arith.addi %scan3A_128, %scan3A_129 : i32
    %scan3A_131 = arith.constant 1 : i32
    scf.for %scan3A_145 = %scan3A_128 to %scan3A_130 step %scan3A_131  : i32 {
      %dma_start3A = arith.constant 0 : i32
      %dma_start3A_146 = tpu.memref_slice %arg7[%scan3A_145, %dma_start3A] : memref<80x128xi32, #tpu.memory_space<vmem>> -> memref<1x128xi32, #tpu.memory_space<vmem>>
      %dma_start3A_147 = tpu.memref_squeeze %dma_start3A_146 : memref<1x128xi32, #tpu.memory_space<vmem>> -> memref<128xi32, #tpu.memory_space<vmem>>
      %dma_start3A_148 = arith.constant 0 : i32
      %dma_start3A_149 = arith.constant 0 : i32
      %dma_start3A_150 = tpu.memref_slice %arg2[%dma_start3A_148, %dma_start3A_149] : memref<80000x128xf32, #tpu.memory_space<hbm>> -> memref<80000x128xf32, #tpu.memory_space<hbm>>
      tpu.enqueue_indirect_dma source(%dma_start3A_150 : memref<80000x128xf32, #tpu.memory_space<hbm>>) target(%arg9 : memref<128x128xf32, #tpu.memory_space<vmem>>) offsets(%dma_start3A_147 : memref<128xi32, #tpu.memory_space<vmem>>) semaphore(%arg10 : memref<!tpu.dma_semaphore, #tpu.memory_space<semaphore_mem>>)
      %dma_wait3A = arith.constant 0 : i32
      %dma_wait3A_151 = tpu.memref_slice %arg7[%scan3A_145, %dma_wait3A] : memref<80x128xi32, #tpu.memory_space<vmem>> -> memref<1x128xi32, #tpu.memory_space<vmem>>
      %dma_wait3A_152 = tpu.memref_squeeze %dma_wait3A_151 : memref<1x128xi32, #tpu.memory_space<vmem>> -> memref<128xi32, #tpu.memory_space<vmem>>
      %dma_wait3A_153 = arith.constant 0 : i32
      %dma_wait3A_154 = arith.constant 0 : i32
      %dma_wait3A_155 = tpu.memref_slice %arg2[%dma_wait3A_153, %dma_wait3A_154] : memref<80000x128xf32, #tpu.memory_space<hbm>> -> memref<80000x128xf32, #tpu.memory_space<hbm>>
      tpu.wait_indirect_dma semaphore(%arg10 : memref<!tpu.dma_semaphore, #tpu.memory_space<semaphore_mem>>) src(%dma_wait3A_155 : memref<80000x128xf32, #tpu.memory_space<hbm>>) dst(%arg9 : memref<128x128xf32, #tpu.memory_space<vmem>>)
    }
    %scan3A_132 = arith.constant 80 : i32
    %barrier3A_133 = arith.constant 0 : index
    tpu.barrier barrier_id(%barrier3A_133)
    %mul3A_134 = arith.constant 624 : i32
    %mul3A_135 = arith.muli %arg1, %mul3A_134 : i32
    %mul3A_136 = arith.constant 624 : i32
    %mul3A_137 = arith.muli %arg1, %mul3A_136 : i32
    %add3A_138 = arith.addi %mul3A_112, %mul3A_137 : i32
    "tpu.region"() ({
      %run_scoped3A = tpu.sem_alloc : memref<!tpu.dma_semaphore, #tpu.memory_space<semaphore_mem>>
      %dma_start3A = arith.constant 0 : i32
      %dma_start3A_145 = tpu.memref_slice %arg5[%add3A_138, %dma_start3A] : memref<80000x128xf32, #tpu.memory_space<hbm>> -> memref<624x128xf32, #tpu.memory_space<hbm>>
      %dma_start3A_146 = arith.constant 0 : i32
      %dma_start3A_147 = tpu.memref_slice %arg6[%mul3A_135, %dma_start3A_146] : memref<10016x128xf32, #tpu.memory_space<vmem_shared>> -> memref<624x128xf32, #tpu.memory_space<vmem_shared>>
      tpu.enqueue_dma source(%dma_start3A_147 : memref<624x128xf32, #tpu.memory_space<vmem_shared>>) target(%dma_start3A_145 : memref<624x128xf32, #tpu.memory_space<hbm>>) target_semaphore(%run_scoped3A : memref<!tpu.dma_semaphore, #tpu.memory_space<semaphore_mem>>)
      %dma_wait3A = arith.constant 0 : i32
      %dma_wait3A_148 = tpu.memref_slice %arg5[%add3A_138, %dma_wait3A] : memref<80000x128xf32, #tpu.memory_space<hbm>> -> memref<624x128xf32, #tpu.memory_space<hbm>>
      %dma_wait3A_149 = arith.constant 0 : i32
      %dma_wait3A_150 = tpu.memref_slice %arg6[%mul3A_135, %dma_wait3A_149] : memref<10016x128xf32, #tpu.memory_space<vmem_shared>> -> memref<624x128xf32, #tpu.memory_space<vmem_shared>>
      tpu.wait_dma2 semaphore(%run_scoped3A : memref<!tpu.dma_semaphore, #tpu.memory_space<semaphore_mem>>) src(%dma_wait3A_150 : memref<624x128xf32, #tpu.memory_space<vmem_shared>>) dst(%dma_wait3A_148 : memref<624x128xf32, #tpu.memory_space<hbm>>)
      tpu.yield
    }) : () -> ()
    %eq3A_139 = arith.constant 0 : i32
    %eq3A_140 = arith.cmpi eq, %arg1, %eq3A_139 : i32
    %convert_element_type3A_141 = arith.extui %eq3A_140 : i1 to i32
    %cond3A_142 = arith.constant 0 : i32
    %cond3A_143 = arith.cmpi ne, %convert_element_type3A_141, %cond3A_142 : i32
    scf.if %cond3A_143 {
      %add3A_145 = arith.constant 9984 : i32
      %add3A_146 = arith.addi %mul3A_112, %add3A_145 : i32
      "tpu.region"() ({
        %run_scoped3A = tpu.sem_alloc : memref<!tpu.dma_semaphore, #tpu.memory_space<semaphore_mem>>
        %dma_start3A = arith.constant 0 : i32
        %dma_start3A_147 = tpu.memref_slice %arg5[%add3A_146, %dma_start3A] : memref<80000x128xf32, #tpu.memory_space<hbm>> -> memref<16x128xf32, #tpu.memory_space<hbm>>
        %dma_start3A_148 = arith.constant 9984 : i32
        %dma_start3A_149 = arith.constant 0 : i32
        %dma_start3A_150 = tpu.memref_slice %arg6[%dma_start3A_148, %dma_start3A_149] : memref<10016x128xf32, #tpu.memory_space<vmem_shared>> -> memref<16x128xf32, #tpu.memory_space<vmem_shared>>
        tpu.enqueue_dma source(%dma_start3A_150 : memref<16x128xf32, #tpu.memory_space<vmem_shared>>) target(%dma_start3A_147 : memref<16x128xf32, #tpu.memory_space<hbm>>) target_semaphore(%run_scoped3A : memref<!tpu.dma_semaphore, #tpu.memory_space<semaphore_mem>>)
        %dma_wait3A = arith.constant 0 : i32
        %dma_wait3A_151 = tpu.memref_slice %arg5[%add3A_146, %dma_wait3A] : memref<80000x128xf32, #tpu.memory_space<hbm>> -> memref<16x128xf32, #tpu.memory_space<hbm>>
        %dma_wait3A_152 = arith.constant 9984 : i32
        %dma_wait3A_153 = arith.constant 0 : i32
        %dma_wait3A_154 = tpu.memref_slice %arg6[%dma_wait3A_152, %dma_wait3A_153] : memref<10016x128xf32, #tpu.memory_space<vmem_shared>> -> memref<16x128xf32, #tpu.memory_space<vmem_shared>>
        tpu.wait_dma2 semaphore(%run_scoped3A : memref<!tpu.dma_semaphore, #tpu.memory_space<semaphore_mem>>) src(%dma_wait3A_154 : memref<16x128xf32, #tpu.memory_space<vmem_shared>>) dst(%dma_wait3A_151 : memref<16x128xf32, #tpu.memory_space<hbm>>)
        tpu.yield
      }) : () -> ()
    } else {
    }
    %barrier3A_144 = arith.constant 0 : index
    tpu.barrier barrier_id(%barrier3A_144)
    return
  }
}

module attributes {stable_mosaic.version = 14 : i64} {
  func.func @_prep_body(%arg0: i32, %arg1: memref<1000x256xf32, #tpu.memory_space<vmem>>, %arg2: memref<1000x256xf32, #tpu.memory_space<vmem>>, %arg3: memref<2x1000x128xf32, #tpu.memory_space<vmem>>, %arg4: memref<4x1000x128xf32, #tpu.memory_space<vmem>>, %arg5: memref<1000x16xf32, #tpu.memory_space<vmem>>) attributes {dimension_semantics = [#tpu.dimension_semantics<arbitrary>], iteration_bounds = array<i64: 10>, scalar_prefetch = 0 : i64, scratch_operands = 0 : i64, tpu.core_type = #tpu.core_type<tc>, window_params = [{transform_indices = @transform_0, window_bounds = array<i64: 1000, 256>}, {transform_indices = @transform_1, window_bounds = array<i64: 1000, 256>}, {transform_indices = @transform_2, window_bounds = array<i64: 2, 1000, 128>}, {transform_indices = @transform_3, window_bounds = array<i64: 4, 1000, 128>}, {transform_indices = @transform_4, window_bounds = array<i64: 1000, 16>}]} {
    %get3A = arith.constant 0 : index
    %get3A_0 = arith.constant 0 : index
    %get3A_1 = arith.constant 0 : index
    %get3A_2 = vector.load %arg3[%get3A, %get3A_0, %get3A_1] : memref<2x1000x128xf32, #tpu.memory_space<vmem>>, vector<1x1000x1xf32>
    %get3A_3 = vector.shape_cast %get3A_2 : vector<1x1000x1xf32> to vector<1000x1xf32>
    %add3A = arith.constant 1.000000e+00 : f32
    %add3A_4 = vector.broadcast %add3A : f32 to vector<1000x1xf32>
    %add3A_5 = arith.addf %add3A_4, %get3A_3 : vector<1000x1xf32>
    %get3A_6 = arith.constant 1 : index
    %get3A_7 = arith.constant 0 : index
    %get3A_8 = arith.constant 0 : index
    %get3A_9 = vector.load %arg3[%get3A_6, %get3A_7, %get3A_8] : memref<2x1000x128xf32, #tpu.memory_space<vmem>>, vector<1x1000x1xf32>
    %get3A_10 = vector.shape_cast %get3A_9 : vector<1x1000x1xf32> to vector<1000x1xf32>
    %add3A_11 = arith.addf %add3A_5, %get3A_10 : vector<1000x1xf32>
    %rsqrt3A = math.rsqrt %add3A_11 : vector<1000x1xf32>
    %get3A_12 = arith.constant 0 : index
    %get3A_13 = arith.constant 0 : index
    %get3A_14 = vector.load %arg1[%get3A_12, %get3A_13] : memref<1000x256xf32, #tpu.memory_space<vmem>>, vector<1000x256xf32>
    %get3A_15 = arith.constant 0 : index
    %get3A_16 = arith.constant 0 : index
    %get3A_17 = vector.load %arg2[%get3A_15, %get3A_16] : memref<1000x256xf32, #tpu.memory_space<vmem>>, vector<1000x256xf32>
    %concatenate3A = tpu.concatenate %get3A_14, %get3A_17 in 1 : vector<1000x256xf32>, vector<1000x256xf32> -> vector<1000x512xf32>
    %mul3A = vector.broadcast %rsqrt3A : vector<1000x1xf32> to vector<1000x512xf32>
    %mul3A_18 = arith.mulf %concatenate3A, %mul3A : vector<1000x512xf32>
    %slice3A = vector.extract_strided_slice %mul3A_18 {offsets = [0, 0], sizes = [1000, 128], strides = [1, 1]} : vector<1000x512xf32> to vector<1000x128xf32>
    %swap3A = arith.constant 0 : index
    %swap3A_19 = arith.constant 0 : index
    %swap3A_20 = arith.constant 0 : index
    %swap3A_21 = vector.load %arg4[%swap3A, %swap3A_19, %swap3A_20] : memref<4x1000x128xf32, #tpu.memory_space<vmem>>, vector<1x1000x128xf32>
    %swap3A_22 = vector.shape_cast %swap3A_21 : vector<1x1000x128xf32> to vector<1000x128xf32>
    %swap3A_23 = vector.shape_cast %slice3A : vector<1000x128xf32> to vector<1x1000x128xf32>
    tpu.vector_store %arg4[%swap3A, %swap3A_19, %swap3A_20], %swap3A_23 {strides = array<i32>} : memref<4x1000x128xf32, #tpu.memory_space<vmem>>, vector<1x1000x128xf32>,
    %slice3A_24 = vector.extract_strided_slice %mul3A_18 {offsets = [0, 128], sizes = [1000, 128], strides = [1, 1]} : vector<1000x512xf32> to vector<1000x128xf32>
    %swap3A_25 = arith.constant 1 : index
    %swap3A_26 = arith.constant 0 : index
    %swap3A_27 = arith.constant 0 : index
    %swap3A_28 = vector.load %arg4[%swap3A_25, %swap3A_26, %swap3A_27] : memref<4x1000x128xf32, #tpu.memory_space<vmem>>, vector<1x1000x128xf32>
    %swap3A_29 = vector.shape_cast %swap3A_28 : vector<1x1000x128xf32> to vector<1000x128xf32>
    %swap3A_30 = vector.shape_cast %slice3A_24 : vector<1000x128xf32> to vector<1x1000x128xf32>
    tpu.vector_store %arg4[%swap3A_25, %swap3A_26, %swap3A_27], %swap3A_30 {strides = array<i32>} : memref<4x1000x128xf32, #tpu.memory_space<vmem>>, vector<1x1000x128xf32>,
    %slice3A_31 = vector.extract_strided_slice %mul3A_18 {offsets = [0, 256], sizes = [1000, 128], strides = [1, 1]} : vector<1000x512xf32> to vector<1000x128xf32>
    %swap3A_32 = arith.constant 2 : index
    %swap3A_33 = arith.constant 0 : index
    %swap3A_34 = arith.constant 0 : index
    %swap3A_35 = vector.load %arg4[%swap3A_32, %swap3A_33, %swap3A_34] : memref<4x1000x128xf32, #tpu.memory_space<vmem>>, vector<1x1000x128xf32>
    %swap3A_36 = vector.shape_cast %swap3A_35 : vector<1x1000x128xf32> to vector<1000x128xf32>
    %swap3A_37 = vector.shape_cast %slice3A_31 : vector<1000x128xf32> to vector<1x1000x128xf32>
    tpu.vector_store %arg4[%swap3A_32, %swap3A_33, %swap3A_34], %swap3A_37 {strides = array<i32>} : memref<4x1000x128xf32, #tpu.memory_space<vmem>>, vector<1x1000x128xf32>,
    %slice3A_38 = vector.extract_strided_slice %mul3A_18 {offsets = [0, 384], sizes = [1000, 128], strides = [1, 1]} : vector<1000x512xf32> to vector<1000x128xf32>
    %swap3A_39 = arith.constant 3 : index
    %swap3A_40 = arith.constant 0 : index
    %swap3A_41 = arith.constant 0 : index
    %swap3A_42 = vector.load %arg4[%swap3A_39, %swap3A_40, %swap3A_41] : memref<4x1000x128xf32, #tpu.memory_space<vmem>>, vector<1x1000x128xf32>
    %swap3A_43 = vector.shape_cast %swap3A_42 : vector<1x1000x128xf32> to vector<1000x128xf32>
    %swap3A_44 = vector.shape_cast %slice3A_38 : vector<1000x128xf32> to vector<1x1000x128xf32>
    tpu.vector_store %arg4[%swap3A_39, %swap3A_40, %swap3A_41], %swap3A_44 {strides = array<i32>} : memref<4x1000x128xf32, #tpu.memory_space<vmem>>, vector<1x1000x128xf32>,
    %broadcast_in_dim3A = vector.shape_cast %rsqrt3A : vector<1000x1xf32> to vector<1000x1xf32>
    %broadcast_in_dim3A_45 = vector.broadcast %broadcast_in_dim3A : vector<1000x1xf32> to vector<1000x16xf32>
    %swap3A_46 = arith.constant 0 : index
    %swap3A_47 = arith.constant 0 : index
    %swap3A_48 = vector.load %arg5[%swap3A_46, %swap3A_47] : memref<1000x16xf32, #tpu.memory_space<vmem>>, vector<1000x16xf32>
    tpu.vector_store %arg5[%swap3A_46, %swap3A_47], %broadcast_in_dim3A_45 {strides = array<i32>} : memref<1000x16xf32, #tpu.memory_space<vmem>>, vector<1000x16xf32>,
    return
  }
  func.func @transform_0(%arg0: i32) -> (i32, i32) {
    %c0_i32 = arith.constant 0 : i32
    %c0_i32_0 = arith.constant 0 : i32
    return %arg0, %c0_i32 : i32, i32
  }
  func.func @transform_1(%arg0: i32) -> (i32, i32) {
    %c0_i32 = arith.constant 0 : i32
    %c0_i32_0 = arith.constant 0 : i32
    return %arg0, %c0_i32 : i32, i32
  }
  func.func @transform_2(%arg0: i32) -> (i32, i32, i32) {
    %c0_i32 = arith.constant 0 : i32
    %c0_i32_0 = arith.constant 0 : i32
    %c0_i32_1 = arith.constant 0 : i32
    return %c0_i32, %arg0, %c0_i32_0 : i32, i32, i32
  }
  func.func @transform_3(%arg0: i32) -> (i32, i32, i32) {
    %c0_i32 = arith.constant 0 : i32
    %c0_i32_0 = arith.constant 0 : i32
    %c0_i32_1 = arith.constant 0 : i32
    return %c0_i32, %arg0, %c0_i32_0 : i32, i32, i32
  }
  func.func @transform_4(%arg0: i32) -> (i32, i32) {
    %c0_i32 = arith.constant 0 : i32
    %c0_i32_0 = arith.constant 0 : i32
    return %arg0, %c0_i32 : i32, i32
  }
}

module attributes {stable_mosaic.version = 14 : i64} {
  func.func @_mid_body(%arg0: i32, %arg1: memref<4x1000x128xf32, #tpu.memory_space<vmem>>, %arg2: memref<1000x16xf32, #tpu.memory_space<vmem>>, %arg3: memref<512x1024xf32, #tpu.memory_space<vmem>>, %arg4: memref<1x1024xf32, #tpu.memory_space<vmem>>, %arg5: memref<1024x1024xf32, #tpu.memory_space<vmem>>, %arg6: memref<8x1000x128xf32, #tpu.memory_space<vmem>>) attributes {dimension_semantics = [#tpu.dimension_semantics<arbitrary>], iteration_bounds = array<i64: 10>, scalar_prefetch = 0 : i64, scratch_operands = 0 : i64, tpu.core_type = #tpu.core_type<tc>, window_params = [{transform_indices = @transform_0, window_bounds = array<i64: 4, 1000, 128>}, {transform_indices = @transform_1, window_bounds = array<i64: 1000, 16>}, {pipeline_mode = #tpu.pipeline_mode<synchronous>, transform_indices = @transform_2, window_bounds = array<i64: 512, 1024>}, {pipeline_mode = #tpu.pipeline_mode<synchronous>, transform_indices = @transform_3, window_bounds = array<i64: 1, 1024>}, {pipeline_mode = #tpu.pipeline_mode<synchronous>, transform_indices = @transform_4, window_bounds = array<i64: 1024, 1024>}, {transform_indices = @transform_5, window_bounds = array<i64: 8, 1000, 128>}]} {
    %get3A = arith.constant 0 : index
    %get3A_0 = arith.constant 0 : index
    %get3A_1 = vector.load %arg2[%get3A, %get3A_0] : memref<1000x16xf32, #tpu.memory_space<vmem>>, vector<1000x1xf32>
    %get3A_2 = arith.constant 0 : index
    %get3A_3 = arith.constant 0 : index
    %get3A_4 = arith.constant 0 : index
    %get3A_5 = vector.load %arg1[%get3A_2, %get3A_3, %get3A_4] : memref<4x1000x128xf32, #tpu.memory_space<vmem>>, vector<1x1000x128xf32>
    %get3A_6 = vector.shape_cast %get3A_5 : vector<1x1000x128xf32> to vector<1000x128xf32>
    %get3A_7 = arith.constant 1 : index
    %get3A_8 = arith.constant 0 : index
    %get3A_9 = arith.constant 0 : index
    %get3A_10 = vector.load %arg1[%get3A_7, %get3A_8, %get3A_9] : memref<4x1000x128xf32, #tpu.memory_space<vmem>>, vector<1x1000x128xf32>
    %get3A_11 = vector.shape_cast %get3A_10 : vector<1x1000x128xf32> to vector<1000x128xf32>
    %get3A_12 = arith.constant 2 : index
    %get3A_13 = arith.constant 0 : index
    %get3A_14 = arith.constant 0 : index
    %get3A_15 = vector.load %arg1[%get3A_12, %get3A_13, %get3A_14] : memref<4x1000x128xf32, #tpu.memory_space<vmem>>, vector<1x1000x128xf32>
    %get3A_16 = vector.shape_cast %get3A_15 : vector<1x1000x128xf32> to vector<1000x128xf32>
    %get3A_17 = arith.constant 3 : index
    %get3A_18 = arith.constant 0 : index
    %get3A_19 = arith.constant 0 : index
    %get3A_20 = vector.load %arg1[%get3A_17, %get3A_18, %get3A_19] : memref<4x1000x128xf32, #tpu.memory_space<vmem>>, vector<1x1000x128xf32>
    %get3A_21 = vector.shape_cast %get3A_20 : vector<1x1000x128xf32> to vector<1000x128xf32>
    %concatenate3A = tpu.concatenate %get3A_6, %get3A_11, %get3A_16, %get3A_21 in 1 : vector<1000x128xf32>, vector<1000x128xf32>, vector<1000x128xf32>, vector<1000x128xf32> -> vector<1000x512xf32>
    %mul3A = vector.broadcast %get3A_1 : vector<1000x1xf32> to vector<1000x512xf32>
    %mul3A_22 = arith.mulf %concatenate3A, %mul3A : vector<1000x512xf32>
    %get3A_23 = arith.constant 0 : index
    %get3A_24 = arith.constant 0 : index
    %get3A_25 = vector.load %arg3[%get3A_23, %get3A_24] : memref<512x1024xf32, #tpu.memory_space<vmem>>, vector<512x1024xf32>
    %dot_general3A = arith.constant dense<0.000000e+00> : vector<1000x1024xf32>
    %dot_general3A_26 = tpu.matmul %mul3A_22, %get3A_25, %dot_general3A {dimension_numbers = #tpu.dot_dimension_numbers<[1], [0], [0], [1], [0, 0, 1, 1], [], []>, transpose_lhs_hint = false} : vector<1000x512xf32>, vector<512x1024xf32>, vector<1000x1024xf32> -> vector<1000x1024xf32>
    %get3A_27 = arith.constant 0 : index
    %get3A_28 = arith.constant 0 : index
    %get3A_29 = vector.load %arg4[%get3A_27, %get3A_28] : memref<1x1024xf32, #tpu.memory_space<vmem>>, vector<1x1024xf32>
    %add3A = vector.broadcast %get3A_29 : vector<1x1024xf32> to vector<1000x1024xf32>
    %add3A_30 = arith.addf %dot_general3A_26, %add3A : vector<1000x1024xf32>
    %ge3A = arith.constant 0.000000e+00 : f32
    %ge3A_31 = vector.broadcast %ge3A : f32 to vector<1000x1024xf32>
    %ge3A_32 = arith.cmpf oge, %add3A_30, %ge3A_31 : vector<1000x1024xf32>
    %mul3A_33 = arith.constant 0.00999999977 : f32
    %mul3A_34 = vector.broadcast %mul3A_33 : f32 to vector<1000x1024xf32>
    %mul3A_35 = arith.mulf %mul3A_34, %add3A_30 : vector<1000x1024xf32>
    %select_n3A = arith.select %ge3A_32, %add3A_30, %mul3A_35 : vector<1000x1024xi1>, vector<1000x1024xf32>
    %get3A_36 = arith.constant 0 : index
    %get3A_37 = arith.constant 0 : index
    %get3A_38 = vector.load %arg5[%get3A_36, %get3A_37] : memref<1024x1024xf32, #tpu.memory_space<vmem>>, vector<1024x1024xf32>
    %dot_general3A_39 = arith.constant dense<0.000000e+00> : vector<1000x1024xf32>
    %dot_general3A_40 = tpu.matmul %select_n3A, %get3A_38, %dot_general3A_39 {dimension_numbers = #tpu.dot_dimension_numbers<[1], [0], [0], [1], [0, 0, 1, 1], [], []>, transpose_lhs_hint = false} : vector<1000x1024xf32>, vector<1024x1024xf32>, vector<1000x1024xf32> -> vector<1000x1024xf32>
    %mul3A_41 = vector.broadcast %get3A_1 : vector<1000x1xf32> to vector<1000x1024xf32>
    %mul3A_42 = arith.mulf %dot_general3A_40, %mul3A_41 : vector<1000x1024xf32>
    %slice3A = vector.extract_strided_slice %mul3A_42 {offsets = [0, 0], sizes = [1000, 128], strides = [1, 1]} : vector<1000x1024xf32> to vector<1000x128xf32>
    %swap3A = arith.constant 0 : index
    %swap3A_43 = arith.constant 0 : index
    %swap3A_44 = arith.constant 0 : index
    %swap3A_45 = vector.load %arg6[%swap3A, %swap3A_43, %swap3A_44] : memref<8x1000x128xf32, #tpu.memory_space<vmem>>, vector<1x1000x128xf32>
    %swap3A_46 = vector.shape_cast %swap3A_45 : vector<1x1000x128xf32> to vector<1000x128xf32>
    %swap3A_47 = vector.shape_cast %slice3A : vector<1000x128xf32> to vector<1x1000x128xf32>
    tpu.vector_store %arg6[%swap3A, %swap3A_43, %swap3A_44], %swap3A_47 {strides = array<i32>} : memref<8x1000x128xf32, #tpu.memory_space<vmem>>, vector<1x1000x128xf32>,
    %slice3A_48 = vector.extract_strided_slice %mul3A_42 {offsets = [0, 128], sizes = [1000, 128], strides = [1, 1]} : vector<1000x1024xf32> to vector<1000x128xf32>
    %swap3A_49 = arith.constant 1 : index
    %swap3A_50 = arith.constant 0 : index
    %swap3A_51 = arith.constant 0 : index
    %swap3A_52 = vector.load %arg6[%swap3A_49, %swap3A_50, %swap3A_51] : memref<8x1000x128xf32, #tpu.memory_space<vmem>>, vector<1x1000x128xf32>
    %swap3A_53 = vector.shape_cast %swap3A_52 : vector<1x1000x128xf32> to vector<1000x128xf32>
    %swap3A_54 = vector.shape_cast %slice3A_48 : vector<1000x128xf32> to vector<1x1000x128xf32>
    tpu.vector_store %arg6[%swap3A_49, %swap3A_50, %swap3A_51], %swap3A_54 {strides = array<i32>} : memref<8x1000x128xf32, #tpu.memory_space<vmem>>, vector<1x1000x128xf32>,
    %slice3A_55 = vector.extract_strided_slice %mul3A_42 {offsets = [0, 256], sizes = [1000, 128], strides = [1, 1]} : vector<1000x1024xf32> to vector<1000x128xf32>
    %swap3A_56 = arith.constant 2 : index
    %swap3A_57 = arith.constant 0 : index
    %swap3A_58 = arith.constant 0 : index
    %swap3A_59 = vector.load %arg6[%swap3A_56, %swap3A_57, %swap3A_58] : memref<8x1000x128xf32, #tpu.memory_space<vmem>>, vector<1x1000x128xf32>
    %swap3A_60 = vector.shape_cast %swap3A_59 : vector<1x1000x128xf32> to vector<1000x128xf32>
    %swap3A_61 = vector.shape_cast %slice3A_55 : vector<1000x128xf32> to vector<1x1000x128xf32>
    tpu.vector_store %arg6[%swap3A_56, %swap3A_57, %swap3A_58], %swap3A_61 {strides = array<i32>} : memref<8x1000x128xf32, #tpu.memory_space<vmem>>, vector<1x1000x128xf32>,
    %slice3A_62 = vector.extract_strided_slice %mul3A_42 {offsets = [0, 384], sizes = [1000, 128], strides = [1, 1]} : vector<1000x1024xf32> to vector<1000x128xf32>
    %swap3A_63 = arith.constant 3 : index
    %swap3A_64 = arith.constant 0 : index
    %swap3A_65 = arith.constant 0 : index
    %swap3A_66 = vector.load %arg6[%swap3A_63, %swap3A_64, %swap3A_65] : memref<8x1000x128xf32, #tpu.memory_space<vmem>>, vector<1x1000x128xf32>
    %swap3A_67 = vector.shape_cast %swap3A_66 : vector<1x1000x128xf32> to vector<1000x128xf32>
    %swap3A_68 = vector.shape_cast %slice3A_62 : vector<1000x128xf32> to vector<1x1000x128xf32>
    tpu.vector_store %arg6[%swap3A_63, %swap3A_64, %swap3A_65], %swap3A_68 {strides = array<i32>} : memref<8x1000x128xf32, #tpu.memory_space<vmem>>, vector<1x1000x128xf32>,
    %slice3A_69 = vector.extract_strided_slice %mul3A_42 {offsets = [0, 512], sizes = [1000, 128], strides = [1, 1]} : vector<1000x1024xf32> to vector<1000x128xf32>
    %swap3A_70 = arith.constant 4 : index
    %swap3A_71 = arith.constant 0 : index
    %swap3A_72 = arith.constant 0 : index
    %swap3A_73 = vector.load %arg6[%swap3A_70, %swap3A_71, %swap3A_72] : memref<8x1000x128xf32, #tpu.memory_space<vmem>>, vector<1x1000x128xf32>
    %swap3A_74 = vector.shape_cast %swap3A_73 : vector<1x1000x128xf32> to vector<1000x128xf32>
    %swap3A_75 = vector.shape_cast %slice3A_69 : vector<1000x128xf32> to vector<1x1000x128xf32>
    tpu.vector_store %arg6[%swap3A_70, %swap3A_71, %swap3A_72], %swap3A_75 {strides = array<i32>} : memref<8x1000x128xf32, #tpu.memory_space<vmem>>, vector<1x1000x128xf32>,
    %slice3A_76 = vector.extract_strided_slice %mul3A_42 {offsets = [0, 640], sizes = [1000, 128], strides = [1, 1]} : vector<1000x1024xf32> to vector<1000x128xf32>
    %swap3A_77 = arith.constant 5 : index
    %swap3A_78 = arith.constant 0 : index
    %swap3A_79 = arith.constant 0 : index
    %swap3A_80 = vector.load %arg6[%swap3A_77, %swap3A_78, %swap3A_79] : memref<8x1000x128xf32, #tpu.memory_space<vmem>>, vector<1x1000x128xf32>
    %swap3A_81 = vector.shape_cast %swap3A_80 : vector<1x1000x128xf32> to vector<1000x128xf32>
    %swap3A_82 = vector.shape_cast %slice3A_76 : vector<1000x128xf32> to vector<1x1000x128xf32>
    tpu.vector_store %arg6[%swap3A_77, %swap3A_78, %swap3A_79], %swap3A_82 {strides = array<i32>} : memref<8x1000x128xf32, #tpu.memory_space<vmem>>, vector<1x1000x128xf32>,
    %slice3A_83 = vector.extract_strided_slice %mul3A_42 {offsets = [0, 768], sizes = [1000, 128], strides = [1, 1]} : vector<1000x1024xf32> to vector<1000x128xf32>
    %swap3A_84 = arith.constant 6 : index
    %swap3A_85 = arith.constant 0 : index
    %swap3A_86 = arith.constant 0 : index
    %swap3A_87 = vector.load %arg6[%swap3A_84, %swap3A_85, %swap3A_86] : memref<8x1000x128xf32, #tpu.memory_space<vmem>>, vector<1x1000x128xf32>
    %swap3A_88 = vector.shape_cast %swap3A_87 : vector<1x1000x128xf32> to vector<1000x128xf32>
    %swap3A_89 = vector.shape_cast %slice3A_83 : vector<1000x128xf32> to vector<1x1000x128xf32>
    tpu.vector_store %arg6[%swap3A_84, %swap3A_85, %swap3A_86], %swap3A_89 {strides = array<i32>} : memref<8x1000x128xf32, #tpu.memory_space<vmem>>, vector<1x1000x128xf32>,
    %slice3A_90 = vector.extract_strided_slice %mul3A_42 {offsets = [0, 896], sizes = [1000, 128], strides = [1, 1]} : vector<1000x1024xf32> to vector<1000x128xf32>
    %swap3A_91 = arith.constant 7 : index
    %swap3A_92 = arith.constant 0 : index
    %swap3A_93 = arith.constant 0 : index
    %swap3A_94 = vector.load %arg6[%swap3A_91, %swap3A_92, %swap3A_93] : memref<8x1000x128xf32, #tpu.memory_space<vmem>>, vector<1x1000x128xf32>
    %swap3A_95 = vector.shape_cast %swap3A_94 : vector<1x1000x128xf32> to vector<1000x128xf32>
    %swap3A_96 = vector.shape_cast %slice3A_90 : vector<1000x128xf32> to vector<1x1000x128xf32>
    tpu.vector_store %arg6[%swap3A_91, %swap3A_92, %swap3A_93], %swap3A_96 {strides = array<i32>} : memref<8x1000x128xf32, #tpu.memory_space<vmem>>, vector<1x1000x128xf32>,
    return
  }
  func.func @transform_0(%arg0: i32) -> (i32, i32, i32) {
    %c0_i32 = arith.constant 0 : i32
    %c0_i32_0 = arith.constant 0 : i32
    %c0_i32_1 = arith.constant 0 : i32
    return %c0_i32, %arg0, %c0_i32_0 : i32, i32, i32
  }
  func.func @transform_1(%arg0: i32) -> (i32, i32) {
    %c0_i32 = arith.constant 0 : i32
    %c0_i32_0 = arith.constant 0 : i32
    return %arg0, %c0_i32 : i32, i32
  }
  func.func @transform_2(%arg0: i32) -> (i32, i32) {
    %c0_i32 = arith.constant 0 : i32
    %c0_i32_0 = arith.constant 0 : i32
    %c0_i32_1 = arith.constant 0 : i32
    return %c0_i32, %c0_i32_0 : i32, i32
  }
  func.func @transform_3(%arg0: i32) -> (i32, i32) {
    %c0_i32 = arith.constant 0 : i32
    %c0_i32_0 = arith.constant 0 : i32
    %c0_i32_1 = arith.constant 0 : i32
    return %c0_i32, %c0_i32_0 : i32, i32
  }
  func.func @transform_4(%arg0: i32) -> (i32, i32) {
    %c0_i32 = arith.constant 0 : i32
    %c0_i32_0 = arith.constant 0 : i32
    %c0_i32_1 = arith.constant 0 : i32
    return %c0_i32, %c0_i32_0 : i32, i32
  }
  func.func @transform_5(%arg0: i32) -> (i32, i32, i32) {
    %c0_i32 = arith.constant 0 : i32
    %c0_i32_0 = arith.constant 0 : i32
    %c0_i32_1 = arith.constant 0 : i32
    return %c0_i32, %arg0, %c0_i32_0 : i32, i32, i32
  }
}

module attributes {stable_mosaic.version = 14 : i64} {
  func.func @_fin_body(%arg0: i32, %arg1: memref<8x1000x128xf32, #tpu.memory_space<vmem>>, %arg2: memref<1000x16xf32, #tpu.memory_space<vmem>>, %arg3: memref<1x1024xf32, #tpu.memory_space<vmem>>, %arg4: memref<1024x512xf32, #tpu.memory_space<vmem>>, %arg5: memref<1x512xf32, #tpu.memory_space<vmem>>, %arg6: memref<1x1x1000xi32, #tpu.memory_space<vmem>>, %arg7: memref<8x512xf32, #tpu.memory_space<vmem>>, %arg8: memref<8x512xf32, #tpu.memory_space<vmem>>, %arg9: memref<8x512xf32, #tpu.memory_space<vmem>>) attributes {dimension_semantics = [#tpu.dimension_semantics<arbitrary>], iteration_bounds = array<i64: 10>, scalar_prefetch = 0 : i64, scratch_operands = 2 : i64, tpu.core_type = #tpu.core_type<tc>, window_params = [{transform_indices = @transform_0, window_bounds = array<i64: 8, 1000, 128>}, {transform_indices = @transform_1, window_bounds = array<i64: 1000, 16>}, {pipeline_mode = #tpu.pipeline_mode<synchronous>, transform_indices = @transform_2, window_bounds = array<i64: 1, 1024>}, {pipeline_mode = #tpu.pipeline_mode<synchronous>, transform_indices = @transform_3, window_bounds = array<i64: 1024, 512>}, {pipeline_mode = #tpu.pipeline_mode<synchronous>, transform_indices = @transform_4, window_bounds = array<i64: 1, 512>}, {transform_indices = @transform_5, window_bounds = array<i64: 1, 1, 1000>}, {pipeline_mode = #tpu.pipeline_mode<synchronous>, transform_indices = @transform_6, window_bounds = array<i64: 8, 512>}]} {
    %eq3A = arith.constant 0 : i32
    %eq3A_0 = arith.cmpi eq, %arg0, %eq3A : i32
    %convert_element_type3A = arith.extui %eq3A_0 : i1 to i32
    %cond3A = arith.constant 0 : i32
    %cond3A_1 = arith.cmpi ne, %convert_element_type3A, %cond3A : i32
    scf.if %cond3A_1 {
      %broadcast_in_dim3A_104 = arith.constant 0.000000e+00 : f32
      %broadcast_in_dim3A_105 = vector.broadcast %broadcast_in_dim3A_104 : f32 to vector<8x512xf32>
      %swap3A_106 = arith.constant 0 : index
      %swap3A_107 = arith.constant 0 : index
      %swap3A_108 = vector.load %arg8[%swap3A_106, %swap3A_107] : memref<8x512xf32, #tpu.memory_space<vmem>>, vector<8x512xf32>
      tpu.vector_store %arg8[%swap3A_106, %swap3A_107], %broadcast_in_dim3A_105 {strides = array<i32>} : memref<8x512xf32, #tpu.memory_space<vmem>>, vector<8x512xf32>,
      %broadcast_in_dim3A_109 = arith.constant 0.000000e+00 : f32
      %broadcast_in_dim3A_110 = vector.broadcast %broadcast_in_dim3A_109 : f32 to vector<8x512xf32>
      %swap3A_111 = arith.constant 0 : index
      %swap3A_112 = arith.constant 0 : index
      %swap3A_113 = vector.load %arg9[%swap3A_111, %swap3A_112] : memref<8x512xf32, #tpu.memory_space<vmem>>, vector<8x512xf32>
      tpu.vector_store %arg9[%swap3A_111, %swap3A_112], %broadcast_in_dim3A_110 {strides = array<i32>} : memref<8x512xf32, #tpu.memory_space<vmem>>, vector<8x512xf32>,
    } else {
    }
    %get3A = arith.constant 0 : index
    %get3A_2 = arith.constant 0 : index
    %get3A_3 = vector.load %arg2[%get3A, %get3A_2] : memref<1000x16xf32, #tpu.memory_space<vmem>>, vector<1000x1xf32>
    %get3A_4 = arith.constant 0 : index
    %get3A_5 = arith.constant 0 : index
    %get3A_6 = arith.constant 0 : index
    %get3A_7 = vector.load %arg1[%get3A_4, %get3A_5, %get3A_6] : memref<8x1000x128xf32, #tpu.memory_space<vmem>>, vector<1x1000x128xf32>
    %get3A_8 = vector.shape_cast %get3A_7 : vector<1x1000x128xf32> to vector<1000x128xf32>
    %get3A_9 = arith.constant 1 : index
    %get3A_10 = arith.constant 0 : index
    %get3A_11 = arith.constant 0 : index
    %get3A_12 = vector.load %arg1[%get3A_9, %get3A_10, %get3A_11] : memref<8x1000x128xf32, #tpu.memory_space<vmem>>, vector<1x1000x128xf32>
    %get3A_13 = vector.shape_cast %get3A_12 : vector<1x1000x128xf32> to vector<1000x128xf32>
    %get3A_14 = arith.constant 2 : index
    %get3A_15 = arith.constant 0 : index
    %get3A_16 = arith.constant 0 : index
    %get3A_17 = vector.load %arg1[%get3A_14, %get3A_15, %get3A_16] : memref<8x1000x128xf32, #tpu.memory_space<vmem>>, vector<1x1000x128xf32>
    %get3A_18 = vector.shape_cast %get3A_17 : vector<1x1000x128xf32> to vector<1000x128xf32>
    %get3A_19 = arith.constant 3 : index
    %get3A_20 = arith.constant 0 : index
    %get3A_21 = arith.constant 0 : index
    %get3A_22 = vector.load %arg1[%get3A_19, %get3A_20, %get3A_21] : memref<8x1000x128xf32, #tpu.memory_space<vmem>>, vector<1x1000x128xf32>
    %get3A_23 = vector.shape_cast %get3A_22 : vector<1x1000x128xf32> to vector<1000x128xf32>
    %get3A_24 = arith.constant 4 : index
    %get3A_25 = arith.constant 0 : index
    %get3A_26 = arith.constant 0 : index
    %get3A_27 = vector.load %arg1[%get3A_24, %get3A_25, %get3A_26] : memref<8x1000x128xf32, #tpu.memory_space<vmem>>, vector<1x1000x128xf32>
    %get3A_28 = vector.shape_cast %get3A_27 : vector<1x1000x128xf32> to vector<1000x128xf32>
    %get3A_29 = arith.constant 5 : index
    %get3A_30 = arith.constant 0 : index
    %get3A_31 = arith.constant 0 : index
    %get3A_32 = vector.load %arg1[%get3A_29, %get3A_30, %get3A_31] : memref<8x1000x128xf32, #tpu.memory_space<vmem>>, vector<1x1000x128xf32>
    %get3A_33 = vector.shape_cast %get3A_32 : vector<1x1000x128xf32> to vector<1000x128xf32>
    %get3A_34 = arith.constant 6 : index
    %get3A_35 = arith.constant 0 : index
    %get3A_36 = arith.constant 0 : index
    %get3A_37 = vector.load %arg1[%get3A_34, %get3A_35, %get3A_36] : memref<8x1000x128xf32, #tpu.memory_space<vmem>>, vector<1x1000x128xf32>
    %get3A_38 = vector.shape_cast %get3A_37 : vector<1x1000x128xf32> to vector<1000x128xf32>
    %get3A_39 = arith.constant 7 : index
    %get3A_40 = arith.constant 0 : index
    %get3A_41 = arith.constant 0 : index
    %get3A_42 = vector.load %arg1[%get3A_39, %get3A_40, %get3A_41] : memref<8x1000x128xf32, #tpu.memory_space<vmem>>, vector<1x1000x128xf32>
    %get3A_43 = vector.shape_cast %get3A_42 : vector<1x1000x128xf32> to vector<1000x128xf32>
    %concatenate3A = tpu.concatenate %get3A_8, %get3A_13, %get3A_18, %get3A_23, %get3A_28, %get3A_33, %get3A_38, %get3A_43 in 1 : vector<1000x128xf32>, vector<1000x128xf32>, vector<1000x128xf32>, vector<1000x128xf32>, vector<1000x128xf32>, vector<1000x128xf32>, vector<1000x128xf32>, vector<1000x128xf32> -> vector<1000x1024xf32>
    %mul3A = vector.broadcast %get3A_3 : vector<1000x1xf32> to vector<1000x1024xf32>
    %mul3A_44 = arith.mulf %concatenate3A, %mul3A : vector<1000x1024xf32>
    %get3A_45 = arith.constant 0 : index
    %get3A_46 = arith.constant 0 : index
    %get3A_47 = vector.load %arg3[%get3A_45, %get3A_46] : memref<1x1024xf32, #tpu.memory_space<vmem>>, vector<1x1024xf32>
    %add3A = vector.broadcast %get3A_47 : vector<1x1024xf32> to vector<1000x1024xf32>
    %add3A_48 = arith.addf %mul3A_44, %add3A : vector<1000x1024xf32>
    %ge3A = arith.constant 0.000000e+00 : f32
    %ge3A_49 = vector.broadcast %ge3A : f32 to vector<1000x1024xf32>
    %ge3A_50 = arith.cmpf oge, %add3A_48, %ge3A_49 : vector<1000x1024xf32>
    %mul3A_51 = arith.constant 0.00999999977 : f32
    %mul3A_52 = vector.broadcast %mul3A_51 : f32 to vector<1000x1024xf32>
    %mul3A_53 = arith.mulf %mul3A_52, %add3A_48 : vector<1000x1024xf32>
    %select_n3A = arith.select %ge3A_50, %add3A_48, %mul3A_53 : vector<1000x1024xi1>, vector<1000x1024xf32>
    %get3A_54 = arith.constant 0 : index
    %get3A_55 = arith.constant 0 : index
    %get3A_56 = vector.load %arg4[%get3A_54, %get3A_55] : memref<1024x512xf32, #tpu.memory_space<vmem>>, vector<1024x512xf32>
    %dot_general3A = arith.constant dense<0.000000e+00> : vector<1000x512xf32>
    %dot_general3A_57 = tpu.matmul %select_n3A, %get3A_56, %dot_general3A {dimension_numbers = #tpu.dot_dimension_numbers<[1], [0], [0], [1], [0, 0, 1, 1], [], []>, transpose_lhs_hint = false} : vector<1000x1024xf32>, vector<1024x512xf32>, vector<1000x512xf32> -> vector<1000x512xf32>
    %get3A_58 = arith.constant 0 : index
    %get3A_59 = arith.constant 0 : index
    %get3A_60 = vector.load %arg5[%get3A_58, %get3A_59] : memref<1x512xf32, #tpu.memory_space<vmem>>, vector<1x512xf32>
    %add3A_61 = vector.broadcast %get3A_60 : vector<1x512xf32> to vector<1000x512xf32>
    %add3A_62 = arith.addf %dot_general3A_57, %add3A_61 : vector<1000x512xf32>
    %ge3A_63 = arith.constant 0.000000e+00 : f32
    %ge3A_64 = vector.broadcast %ge3A_63 : f32 to vector<1000x512xf32>
    %ge3A_65 = arith.cmpf oge, %add3A_62, %ge3A_64 : vector<1000x512xf32>
    %mul3A_66 = arith.constant 0.00999999977 : f32
    %mul3A_67 = vector.broadcast %mul3A_66 : f32 to vector<1000x512xf32>
    %mul3A_68 = arith.mulf %mul3A_67, %add3A_62 : vector<1000x512xf32>
    %select_n3A_69 = arith.select %ge3A_65, %add3A_62, %mul3A_68 : vector<1000x512xi1>, vector<1000x512xf32>
    %get3A_70 = arith.constant 0 : index
    %get3A_71 = arith.constant 0 : index
    %get3A_72 = arith.constant 0 : index
    %get3A_73 = vector.load %arg6[%get3A_70, %get3A_71, %get3A_72] : memref<1x1x1000xi32, #tpu.memory_space<vmem>>, vector<1x1x1000xi32>
    %get3A_74 = vector.shape_cast %get3A_73 : vector<1x1x1000xi32> to vector<1000xi32>
    %broadcast_in_dim3A = vector.shape_cast %get3A_74 : vector<1000xi32> to vector<1000x1xi32>
    %iota3A = tpu.iota {dimensions = array<i32: 1>} : vector<1x8xi32>
    %eq3A_75 = vector.broadcast %broadcast_in_dim3A : vector<1000x1xi32> to vector<1000x8xi32>
    %eq3A_76 = vector.broadcast %iota3A : vector<1x8xi32> to vector<1000x8xi32>
    %eq3A_77 = arith.cmpi eq, %eq3A_75, %eq3A_76 : vector<1000x8xi32>
    %convert_element_type3A_78 = arith.extui %eq3A_77 : vector<1000x8xi1> to vector<1000x8xi32>
    %convert_element_type3A_79 = arith.sitofp %convert_element_type3A_78 : vector<1000x8xi32> to vector<1000x8xf32>
    %get3A_80 = arith.constant 0 : index
    %get3A_81 = arith.constant 0 : index
    %get3A_82 = vector.load %arg8[%get3A_80, %get3A_81] : memref<8x512xf32, #tpu.memory_space<vmem>>, vector<8x512xf32>
    %dot_general3A_83 = arith.constant dense<0.000000e+00> : vector<8x512xf32>
    %dot_general3A_84 = tpu.matmul %convert_element_type3A_79, %select_n3A_69, %dot_general3A_83 {dimension_numbers = #tpu.dot_dimension_numbers<[0], [0], [1], [1], [0, 1, 1, 1], [], []>, transpose_lhs_hint = false} : vector<1000x8xf32>, vector<1000x512xf32>, vector<8x512xf32> -> vector<8x512xf32>
    %add3A_85 = arith.addf %get3A_82, %dot_general3A_84 : vector<8x512xf32>
    %swap3A = arith.constant 0 : index
    %swap3A_86 = arith.constant 0 : index
    %swap3A_87 = vector.load %arg8[%swap3A, %swap3A_86] : memref<8x512xf32, #tpu.memory_space<vmem>>, vector<8x512xf32>
    tpu.vector_store %arg8[%swap3A, %swap3A_86], %add3A_85 {strides = array<i32>} : memref<8x512xf32, #tpu.memory_space<vmem>>, vector<8x512xf32>,
    %get3A_88 = arith.constant 0 : index
    %get3A_89 = arith.constant 0 : index
    %get3A_90 = vector.load %arg9[%get3A_88, %get3A_89] : memref<8x512xf32, #tpu.memory_space<vmem>>, vector<8x512xf32>
    %reduce_sum3A = arith.constant dense<0.000000e+00> : vector<8xf32>
    %reduce_sum3A_91 = vector.multi_reduction <add>, %convert_element_type3A_79, %reduce_sum3A [0] : vector<1000x8xf32> to vector<8xf32>
    %broadcast_in_dim3A_92 = vector.shape_cast %reduce_sum3A_91 : vector<8xf32> to vector<8x1xf32>
    %broadcast_in_dim3A_93 = vector.shape_cast %broadcast_in_dim3A_92 : vector<8x1xf32> to vector<8x1xf32>
    %broadcast_in_dim3A_94 = vector.broadcast %broadcast_in_dim3A_93 : vector<8x1xf32> to vector<8x512xf32>
    %add3A_95 = arith.addf %get3A_90, %broadcast_in_dim3A_94 : vector<8x512xf32>
    %swap3A_96 = arith.constant 0 : index
    %swap3A_97 = arith.constant 0 : index
    %swap3A_98 = vector.load %arg9[%swap3A_96, %swap3A_97] : memref<8x512xf32, #tpu.memory_space<vmem>>, vector<8x512xf32>
    tpu.vector_store %arg9[%swap3A_96, %swap3A_97], %add3A_95 {strides = array<i32>} : memref<8x512xf32, #tpu.memory_space<vmem>>, vector<8x512xf32>,
    %eq3A_99 = arith.constant 9 : i32
    %eq3A_100 = arith.cmpi eq, %arg0, %eq3A_99 : i32
    %convert_element_type3A_101 = arith.extui %eq3A_100 : i1 to i32
    %cond3A_102 = arith.constant 0 : i32
    %cond3A_103 = arith.cmpi ne, %convert_element_type3A_101, %cond3A_102 : i32
    scf.if %cond3A_103 {
      %get3A_104 = arith.constant 0 : index
      %get3A_105 = arith.constant 0 : index
      %get3A_106 = vector.load %arg8[%get3A_104, %get3A_105] : memref<8x512xf32, #tpu.memory_space<vmem>>, vector<8x512xf32>
      %get3A_107 = arith.constant 0 : index
      %get3A_108 = arith.constant 0 : index
      %get3A_109 = vector.load %arg9[%get3A_107, %get3A_108] : memref<8x512xf32, #tpu.memory_space<vmem>>, vector<8x512xf32>
      %max3A = arith.constant 1.000000e+00 : f32
      %max3A_110 = vector.broadcast %max3A : f32 to vector<8x512xf32>
      %max3A_111 = arith.maximumf %get3A_109, %max3A_110 : vector<8x512xf32>
      %div3A = arith.divf %get3A_106, %max3A_111 : vector<8x512xf32>
      %swap3A_112 = arith.constant 0 : index
      %swap3A_113 = arith.constant 0 : index
      %swap3A_114 = vector.load %arg7[%swap3A_112, %swap3A_113] : memref<8x512xf32, #tpu.memory_space<vmem>>, vector<8x512xf32>
      tpu.vector_store %arg7[%swap3A_112, %swap3A_113], %div3A {strides = array<i32>} : memref<8x512xf32, #tpu.memory_space<vmem>>, vector<8x512xf32>,
    } else {
    }
    return
  }
  func.func @transform_0(%arg0: i32) -> (i32, i32, i32) {
    %c0_i32 = arith.constant 0 : i32
    %c0_i32_0 = arith.constant 0 : i32
    %c0_i32_1 = arith.constant 0 : i32
    return %c0_i32, %arg0, %c0_i32_0 : i32, i32, i32
  }
  func.func @transform_1(%arg0: i32) -> (i32, i32) {
    %c0_i32 = arith.constant 0 : i32
    %c0_i32_0 = arith.constant 0 : i32
    return %arg0, %c0_i32 : i32, i32
  }
  func.func @transform_2(%arg0: i32) -> (i32, i32) {
    %c0_i32 = arith.constant 0 : i32
    %c0_i32_0 = arith.constant 0 : i32
    %c0_i32_1 = arith.constant 0 : i32
    return %c0_i32, %c0_i32_0 : i32, i32
  }
  func.func @transform_3(%arg0: i32) -> (i32, i32) {
    %c0_i32 = arith.constant 0 : i32
    %c0_i32_0 = arith.constant 0 : i32
    %c0_i32_1 = arith.constant 0 : i32
    return %c0_i32, %c0_i32_0 : i32, i32
  }
  func.func @transform_4(%arg0: i32) -> (i32, i32) {
    %c0_i32 = arith.constant 0 : i32
    %c0_i32_0 = arith.constant 0 : i32
    %c0_i32_1 = arith.constant 0 : i32
    return %c0_i32, %c0_i32_0 : i32, i32
  }
  func.func @transform_5(%arg0: i32) -> (i32, i32, i32) {
    %c0_i32 = arith.constant 0 : i32
    %c0_i32_0 = arith.constant 0 : i32
    %c0_i32_1 = arith.constant 0 : i32
    return %arg0, %c0_i32, %c0_i32_0 : i32, i32, i32
  }
  func.func @transform_6(%arg0: i32) -> (i32, i32) {
    %c0_i32 = arith.constant 0 : i32
    %c0_i32_0 = arith.constant 0 : i32
    %c0_i32_1 = arith.constant 0 : i32
    return %c0_i32, %c0_i32_0 : i32, i32
  }
}

</mosaic_0001>

<sc_bundles>
// kernel: kernel.11.cloned.1.call-start
scs
__scs_entry_jumppad:
0x0: {  	(pc) =	sbr.rel $0x88, $3  }
0x1: {  	(tag) =	ssettag $0x0;
	lr =	simm.s32 $0x1  }
0x2: {  	[smem:$0x3F97] =	sst lr;
	_ =	strace $0xD0000000  }
0x3: {  	_ = 	snop  }
0x4: {  	_ = 	snop  }
0x5: {  	_ = 	snop  }
0x6: {  	_ = 	snop  }
0x7: {  	_ = 	snop  }
__scs_overlays_trampoline_lowered:
0x8: {  	[smem:$0x3FA6] =	sst s0  }
0x9: {  	[smem:$0x3FA7] =	sst s1  }
0xa: {  	[smem:$0x3FA8] =	sst s2  }
0xb: {  	[smem:$0x3FA9] =	sst s3  }
0xc: {  	[smem:$0x3FAA] =	sst s4  }
0xd: {  	[smem:$0x3FAB] =	sst s5  }
0xe: {  	[smem:$0x3FAC] =	sst s6  }
0xf: {  	[smem:$0x3FAD] =	sst s7  }
0x10: {  	[smem:$0x3FAE] =	sst s8  }
0x11: {  	[smem:$0x3FAF] =	sst s9;
	s0 =	simm.s32 @!p0 $0x0  }
0x12: {  	s1 =	sld [smem:$0x3F95];
	s0 =	simm.s32 @p0 $0x1  }
0x13: {  	[smem:$0x3FB0] =	sst s0;
	s0 =	simm.s32 @!p1 $0x0  }
0x14: {  	s2 =	sld [smem:$0x3F94];
	s0 =	simm.s32 @p1 $0x1  }
0x15: {  	[smem:$0x3FB1] =	sst s0;
	s0 =	simm.s32 @!p2 $0x0  }
0x16: {  	s3 =	sld [smem:$0x3FDB];
	s0 =	simm.s32 @p2 $0x1  }
0x17: {  	s4 =	simm.s32 $0x1BF5;
	[smem:$0x3FB3] =	sst s0  }
0x18: {  	s0 =	sld [smem:$0x3F96];
	_ =	swait.ge [sflag:s4], $0x0  }
0x19: {  	s7 =	sld [smem:$0x3F97]  }
0x1a: {  	s8 =	sadd.s32 $0xFFFFE003, lr  }
0x1b: {  	s9 =	sadd.s32 $0xFFFFFEF7, lr;
	s5 =	simm.s32 $0xFFFFFFFF;
	p2 =	slt.u32 s8, $0xFFFFF086  }
0x1c: {  	p1 =	slt.u32 s9, $0xF7A;
	s5 =	simm.s32 @!p2 $0x0  }
0x1d: {  	s5 =	simm.s32 @p1 $0x1;
	p0 =	seq.s32 s7, s2  }
0x1e: {  	s7 =	smul.u32 @!p0 $0xF7A, s2;
	p2 =	seq.s32 @!p0 s5, $0x0  }
0x1f: {  	s9 =	smul.u32 $0xF7A, s1;
	s8 =	simm.s32 @!p0 $0x1BF5;
	p2 =	por !p2, p0  }
0x20: {  	[sflag:s8] =	ssyncset.s32 @!p0 $0xFFFFF086;
	s6 =	sadd.s32 @!p0 s3, s7;
	s7 =	simm.s32 @!p0 $0x108  }
0x21: {  	s3 =	sadd.s32 s3, s9;
	s6 =	sadd.s32 @!p0 $0x88, s6;
	s7 =	simm.s32 @p2 $0x1082  }
0x22: {  	[simem:s7], [sflag:s8] =	dma.local @!p0 [hbm:s6], $0xF7A  }
0x23: {  	s9 =	sor.u32 $0xD0000000, s2;
	s6 =	simm.s32 $0x108;
	_ =	swait.ge @!p0 [sflag:s8], $0x0  }
0x24: {  	s3 =	sadd.s32 $0x88, s3;
	s6 =	simm.s32 @!p1 $0x1082;
	[sflag:s4] =	ssyncset.s32 $0xFFFFF086  }
0x25: {  	[simem:s6], [sflag:s4] =	dma.local [hbm:s3], $0xF7A  }
0x26: {  	[smem:$0x3F97] =	sst s1;
	(tag) =	ssettag s2;
	_ =	strace s9  }
0x27: {  	s1 =	sld [smem:$0x3FA7]  }
0x28: {  	s2 =	sld [smem:$0x3FA8]  }
0x29: {  	s4 =	sld [smem:$0x3FAA]  }
0x2a: {  	p0 =	seq.s32 s5, $0x0;
	s5 =	sld [smem:$0x3FAB]  }
0x2b: {  	s6 =	sld [smem:$0x3FAC]  }
0x2c: {  	s7 =	sld [smem:$0x3FAD]  }
0x2d: {  	s3 =	simm.s32 $0x108;
	s8 =	sld [smem:$0x3FAE]  }
0x2e: {  	s3 =	simm.s32 @!p0 $0x1082;
	s9 =	sld [smem:$0x3FAF]  }
0x2f: {  	lr =	sadd.s32 s0, s3;
	s0 =	sld [smem:$0x3FA6]  }
0x30: {  	s3 =	sld [smem:$0x3FA9]  }
0x31: {  	[smem:$0x3FB2] =	sst s10  }
0x32: {  	s10 =	sld [smem:$0x3FB0];
	_ =	sdelay $0x3  }
0x33: {  	p0 =	seq.s32 s10, $0x1;
	s10 =	sld [smem:$0x3FB2];
	_ =	sdelay $0x3  }
0x34: {  	[smem:$0x3FB2] =	sst s10  }
0x35: {  	s10 =	sld [smem:$0x3FB1];
	_ =	sdelay $0x3  }
0x36: {  	p1 =	seq.s32 s10, $0x1;
	s10 =	sld [smem:$0x3FB2];
	_ =	sdelay $0x3  }
0x37: {  	[smem:$0x3FB2] =	sst s10  }
0x38: {  	s10 =	sld [smem:$0x3FB3]  }
0x39: {  	_ = 	snop;
	(pc) =	sbr.ind lr, $3  }
0x3a: {  	_ = 	snop  }
0x3b: {  	_ = 	snop  }
0x3c: {  	p2 =	seq.s32 s10, $0x1;
	s10 =	sld [smem:$0x3FB2]  }
0x3d: {  	_ =	shalt  }
0x3e: {  	_ =	shalt  }
0x3f: {  	_ =	shalt  }
0x40: {  	_ =	shalt  }
0x41: {  	_ =	shalt  }
0x42: {  	_ =	shalt  }
0x43: {  	_ =	shalt  }
0x44: {  	_ =	shalt  }
0x45: {  	_ =	shalt  }
0x46: {  	_ =	shalt  }
0x47: {  	_ =	shalt  }
0x48: {  	_ =	shalt  }
0x49: {  	_ =	shalt  }
0x4a: {  	_ =	shalt  }
0x4b: {  	_ =	shalt  }
0x4c: {  	_ =	shalt  }
0x4d: {  	_ =	shalt  }
0x4e: {  	_ =	shalt  }
0x4f: {  	_ =	shalt  }
0x50: {  	_ =	shalt  }
0x51: {  	_ =	shalt  }
0x52: {  	_ =	shalt  }
0x53: {  	_ =	shalt  }
0x54: {  	_ =	shalt  }
0x55: {  	_ =	shalt  }
0x56: {  	_ =	shalt  }
0x57: {  	_ =	shalt  }
0x58: {  	_ =	shalt  }
0x59: {  	_ =	shalt  }
0x5a: {  	_ =	shalt  }
0x5b: {  	_ =	shalt  }
0x5c: {  	_ =	shalt  }
0x5d: {  	_ =	shalt  }
0x5e: {  	_ =	shalt  }
0x5f: {  	_ =	shalt  }
0x60: {  	_ =	shalt  }
0x61: {  	_ =	shalt  }
0x62: {  	_ =	shalt  }
0x63: {  	_ =	shalt  }
0x64: {  	_ =	shalt  }
0x65: {  	_ =	shalt  }
0x66: {  	_ =	shalt  }
0x67: {  	_ =	shalt  }
0x68: {  	_ =	shalt  }
0x69: {  	_ =	shalt  }
0x6a: {  	_ =	shalt  }
0x6b: {  	_ =	shalt  }
0x6c: {  	_ =	shalt  }
0x6d: {  	_ =	shalt  }
0x6e: {  	_ =	shalt  }
0x6f: {  	_ =	shalt  }
0x70: {  	_ =	shalt  }
0x71: {  	_ =	shalt  }
0x72: {  	_ =	shalt  }
0x73: {  	_ =	shalt  }
0x74: {  	_ =	shalt  }
0x75: {  	_ =	shalt  }
0x76: {  	_ =	shalt  }
0x77: {  	_ =	shalt  }
0x78: {  	_ =	shalt  }
0x79: {  	_ =	shalt  }
0x7a: {  	_ =	shalt  }
0x7b: {  	_ =	shalt  }
0x7c: {  	_ =	shalt  }
0x7d: {  	_ =	shalt  }
0x7e: {  	_ =	shalt  }
0x7f: {  	_ =	shalt  }
0x80: {  	_ =	shalt  }
0x81: {  	_ =	shalt  }
0x82: {  	_ =	shalt  }
0x83: {  	_ =	shalt  }
0x84: {  	_ =	shalt  }
0x85: {  	_ =	shalt  }
0x86: {  	_ =	shalt  }
0x87: {  	_ =	shalt  }
.Lfunc_end0:
.L_simem_size_0:
called_computation.1_lowered:
.L_overlay_start_0:
0x88: {  	s2 =	sld [smem:$0x3FD9]  }
0x89: {  	s3 =	sld [smem:$0x3FFE];
	_ =	sdelay $0x1  }
0x8a: {  	s1 =	srdreg.scid  }
0x8b: {  	s0 =	sand.u32 $0x1, s1  }
0x8c: {  	s16 =	sshll.u32 s0, $0xA;
	s2 =	sadd.s32 s3, s2  }
0x8d: {  	s2 =	sadd.s32 s2, s16  }
0x8e: {  	[smem:$0x3FBE] =	sst s2  }
0x8f: {  	_ = 	snop  }
0x90: {  	(tm) =	ssettm $0x1  }
0x91: {  	s17 =	sld [smem:$0x3FFB];
	_ =	sdelay $0x3  }
0x92: {  	_ =	strace s17  }
0x93: {  	s2 =	sld [smem:$0x3FFC];
	_ =	sdelay $0x3  }
0x94: {  	_ =	strace s2  }
0x95: {  	s2 =	sld [smem:$0x3FFD];
	_ =	sdelay $0x3  }
0x96: {  	_ =	strace s2  }
0x97: {  	_ =	strace $0x8FFFFFFF  }
0x98: {  	s18 =	sld [smem:$0x3FDB];
	_ =	sdelay $0x1  }
0x99: {  	s19 =	simm.s32 $_scs_section_size  }
0x9a: {  	s4 =	simm.s32 $_size__tile_overlayer_lowered;
	s5 =	simm.s32 $_tile_overlayer_lowered  }
0x9b: {  	s22 =	simm.s32 $0x1BFF;
	s21 =	sshll.u32 s5, $0x1;
	s2 =	sadd.s32 s19, s18  }
0x9c: {  	s6 =	simm.s32 $0x0;
	s20 =	sshll.u32 s4, $0x1;
	s4 =	sadd.s32 s21, s2  }
0x9d: {  	[timem:s6], [sflag:s22] =	dma.local [hbm:s4], s20  }
0x9e: {  	_ =	swait.ge [sflag:s22], s20  }
0x9f: {  	s3 =	ssub.s32 $0x0, s20;
	[sflag:s22] =	ssyncset.done $0x0  }
0xa0: {  	[sflag:s22] =	ssyncadd.s32 s3;
	_ =	sdelay $0x1  }
0xa1: {  	s23 =	simm.s32 $0x1B8B  }
0xa2: {  	_ =	swait.ge [sflag:s23], $0x1  }
0xa3: {  	[sflag:s23] =	ssyncset.done $0x0  }
0xa4: {  	s25 =	simm.s32 $0x1B8E;
	s24 =	sld [smem:$0x3FFE];
	[sflag:s23] =	ssyncadd.s32 $0xFFFFFFFF  }
0xa5: {  	s26 =	simm.s32 $execute0_lowered;
	[smem:$0x3FD2] =	sst s25  }
0xa6: {  	s4 =	sshll.u32 s26, $0x1;
	_ =	strace $0x80000049;
	[dreg:$0x1] =	wrdreg $0xFFFFFFFF  }
0xa7: {  	s28 =	simm.s32 $_size_execute0_lowered;
	s2 =	sadd.s32 s2, s4;
	[dreg:$0x0] =	wrdreg $0x0  }
0xa8: {  	s4 =	sshll.u32 s28, $0x1;
	[dreg:$0x2] =	wrdreg s2  }
0xa9: {  	[dreg:$0x3] =	wrdreg s4  }
0xaa: {  	[dreg:$0x4] =	wrdreg $0xC0  }
0xab: {  	_ =	task [dreg:s6], $0x5FFFF  }
0xac: {  	[dreg:$0x1] =	wrdreg $0xFFFFFFFF  }
0xad: {  	[dreg:$0x0] =	wrdreg $0x60  }
0xae: {  	[dreg:$0x2] =	wrdreg s24  }
0xaf: {  	[dreg:$0x3] =	wrdreg $0x0  }
0xb0: {  	[dreg:$0x4] =	wrdreg $0x9  }
0xb1: {  	_ =	task.clear_ibuf [dreg:s6], $0x5FFFF;
	_ =	strace $0x90000049  }
0xb2: {  	s29 =	simm.s32 $0x9;
	_ =	strace $0x8000004B  }
0xb3: {  	_ =	swait.ge [sflag:s29], $0x1  }
0xb4: {  	[sflag:s29] =	ssyncadd.s32 $0xFFFFFFFF  }
0xb5: {  	_ =	strace $0x9000004B  }
0xb6: {  	_ =	sfence  }
0xb7: {  	s30 =	sld [smem:$0x0];
	_ =	sdelay $0x2  }
0xb8: {  	s31 =	sshll.u32 s1, $0xD;
	s1 =	sshrl.u32 s1, $0x2  }
0xb9: {  	s3 =	sand.u32 $0x4000, s31;
	s1 =	sadd.s32 s1, s30  }
0xba: {  	s0 =	sor.u32 s3, s0;
	s1 =	sshll.u32 s1, $0x11  }
0xbb: {  	s0 =	sor.u32 s1, s0  }
0xbc: {  	s0 =	sadd.s32 $0x8F2B, s0  }
0xbd: {  	[sflag:s0] =	ssyncadd.remote.s32 $0x1  }
0xbe: {  	_ =	sfence.sel $0xFFFF  }
0xbf: {  	[dreg:$0x0] =	wrdreg $0xFFFFFFFF;
	(pc) =	sbr.abs _section_cstart, $3  }
0xc0: {  	[dreg:$0x1] =	wrdreg $0xFFFFFFFF  }
0xc1: {  	_ =	task.clear_ibuf [dreg:s6], $0x2FFFF;
	_ =	strace $0x9FFFFFFF  }
0xc2: {  	(tm) =	ssettm $0x7FFFFFFF  }
0xc3: {  	_ =	shalt  }
tec
execute0_lowered:
.L_overlay_start_1:
0x0: {  	(tag) =	ssettag $0x1  }
0x1: {  	s4 =	rddreg [dreg:$0x0]  }
0x2: {  	s7 =	rddreg [dreg:$0x1]  }
0x3: {  	s0 =	rddreg [dreg:$0x2];
	s1 =	simm.s32 $0x0  }
0x4: {  	s2 =	stileid.u32;
	s6 =	srdreg.scid;
	s21 =	simm.s32 $0x80  }
0x5: {  	s22 =	simm.s32 $0x18900;
	[smem:$0x7FF] =	sst s1;
	s5 =	smul.u32 $0x500, s2  }
0x6: {  	s3 =	sadd.s32 $0xB8E00, s4;
	s14 =	sadd.s32 $0xA4E00, s4;
	s11 =	smul.u32 $0x270, s2  }
0x7: {  	s6 =	sand.u32 $0x1, s6;
	s9 =	smul.u32 $0x4E000, s2;
	s16 =	sadd.s32 $0x155200, s4  }
0x8: {  	p0 =	sne.s32 s2, $0x0;
	_ =	strace $0x8000004A;
	s10 =	smul.u32 $0x4E20, s6  }
0x9: {  	s8 =	ssub.s32 $0x2, s6;
	s26 =	smul.u32 $0x271000, s6;
	s28 =	sshll.u32 s6, $0x5  }
0xa: {  	s13 =	sshllo.u32 s6, $0x1;
	s5 =	sadd.s32 s5, s4;
	s23 =	sshrl.u32 s8, $0x1  }
0xb: {  	s24 =	sshrl.u32 s9, $0x2;
	s29 =	sor.u32 s2, s28;
	s18 =	smul.u32 $0x2710, s13  }
0xc: {  	s19 =	smul.u32 $0x138800, s13;
	s30 =	sshll.u32 s13, $0x4;
	s17 =	ssub.s32 s8, s23  }
0xd: {  	s4 =	sadd.s32 $0x2200, s5;
	s25 =	sadd.s32 s11, s10;
	s5 =	sadd.s32 s24, s7  }
0xe: {  	s9 =	sshrl.u32 s26, $0x3;
	s10 =	smul.u32 $0x500, s29;
	s7 =	sadd.s32 $0x138000, s7  }
0xf: {  	s23 =	simm.s32 $0x1;
	s24 =	simm.s32 $0x0;
	s12 =	sshll.u32 s25, $0x4  }
0x10: {  	s15 =	sadd.s32 $0x27000, s9;
	s11 =	sadd.s32 s11, s18;
	s31 =	sshrl.u32 s19, $0x3  }
0x11: {  	s17 =	smax.u32 s17, $0x1;
	s6 =	sadd.s32 s3, s12;
	s8 =	sadd.s32 s3, s15  }
0x12: {  	s9 =	sadd.s32 s14, s10;
	s10 =	sadd.s32 s16, s12;
	s12 =	sor.u32 s2, s30  }
0x13: {  	s18 =	sshll.u32 s11, $0x4;
	s19 =	sadd.s32 $0x27000, s31;
	s11 =	sadd.s32 s16, s15  }
0x14: {  	s20 =	smul.u32 $0x500, s12;
	s12 =	sadd.s32 s3, s18;
	s13 =	sadd.s32 s3, s19  }
0x15: {  	s15 =	sadd.s32 s16, s18;
	s16 =	sadd.s32 s16, s19;
	s18 =	simm.s32 $0x16100  }
0x16: {  	s19 =	simm.s32 $0x2;
	s14 =	sadd.s32 s14, s20;
	s20 =	simm.s32 $0x13900  }
.LBB2_1:
0x17: {  	[tilespmem:s18], [sflag:$0x2] =	stream.linear.gather [hbm4b:s4+s1], $0x2800, $0x38;
	[tilespmem:$0x1C900] =	vst v63  }
0x18: {  	_ =	swait.ge [sflag:s19], $0x2800  }
0x19: {  	s25 =	sshll.u32 s2, $0x6;
	[sflag:s19] =	ssyncset.done $0x0  }
0x1a: {  	s26 =	sshrl.u32 s5, $0x3;
	s25 =	sor.u32 $0x1C02, s25;
	[sflag:s19] =	ssyncadd.s32 $0xFFFFD800  }
0x1b: {  	[spmem:s26], [sflag:s25] =	dma.local [hbm:s6], $0x2700  }
0x1c: {  	_ =	swait.ge [sflag:s19], $0x2700  }
0x1d: {  	[sflag:s19] =	ssyncset.done $0x0  }
0x1e: {  	s28 =	sshrl.u32 @!p0 s7, $0x3;
	s29 =	simm.s32 @!p0 $0x2;
	[sflag:s19] =	ssyncadd.s32 $0xFFFFD900  }
0x1f: {  	[spmem:s28], [sflag:s25] =	dma.local @!p0 [hbm:s8], $0x100  }
0x20: {  	_ =	swait.ge @!p0 [sflag:s29], $0x100  }
0x21: {  	[sflag:s29] =	ssyncset.done @!p0 $0x0  }
0x22: {  	[sflag:s29] =	ssyncadd.s32 @!p0 $0xFFFFFF00  }
0x23: {  	[tilespmem:s20], [sflag:$0x2] =	stream.linear.gather [hbm4b:s9+s1], $0x2800, $0x38;
	[tilespmem:$0x1C900] =	vst v63  }
0x24: {  	_ =	swait.ge [sflag:s19], $0x2800  }
0x25: {  	[sflag:s19] =	ssyncset.done $0x0  }
0x26: {  	[sflag:s19] =	ssyncadd.s32 $0xFFFFD800  }
0x27: {  	s29 =	simm.s32 $0x13900;
	[bflag:$0x0] =	sbarrier.arrive $0xFFFF  }
0x28: {  	[tilespmem:s22], [sflag:$0x1] =	stream.indirect.gather [hbm4b:s3+s21], $0x80, s29, s21, $0xb8;
	[tilespmem:$0x1C900] =	vst v63  }
0x29: {  	s29 =	simm.s32 $0x200;
	_ =	swait.ge [sflag:s23], $0x4000  }
.LBB2_2:
0x2a: {  	s30 =	sshra.s32 s29, $0x2;
	[sflag:s23] =	ssyncset.done $0x0;
	p1 =	sne.s32 s29, $0x9E00  }
.Ltmp0:
0x2b: {  	s30 =	sadd.s32 $0x13900, s30;
	[sflag:s23] =	ssyncadd.s32 $0xFFFFC000;
	(pc) =	sbr.rel @p1 .LBB2_2-.Ltmp0, $3  }
0x2c: {  	[tilespmem:s22], [sflag:$0x1] =	stream.indirect.gather [hbm4b:s3+s21], $0x80, s30, s21, $0xb8;
	[tilespmem:$0x1C900] =	vst v63  }
0x2d: {  	s29 =	sadd.s32 $0x200, s29;
	_ =	sdelay $0x1  }
0x2e: {  	_ =	swait.ge [sflag:s23], $0x4000  }
0x2f: {  	[sflag:s23] =	ssyncset.done $0x0  }
0x30: {  	[sflag:s23] =	ssyncadd.s32 $0xFFFFC000  }
0x31: {  	[bflag:$0x0] =	sbarrier.arrive $0xFFFF  }
0x32: {  	[hbm:s10], [sflag:s25] =	dma.local [spmem:s26], $0x2700  }
0x33: {  	_ =	swait.ge [sflag:s19], $0x2700  }
0x34: {  	[sflag:s19] =	ssyncset.done $0x0  }
0x35: {  	[sflag:s19] =	ssyncadd.s32 $0xFFFFD900  }
0x36: {  	s29 =	sshrl.u32 @p0 s5, $0x3;
	[bflag:$0x0] =	sbarrier.arrive @p0 $0xFFFF  }
0x37: {  	[spmem:s29], [sflag:s25] =	dma.local @p0 [hbm:s12], $0x2700  }
0x38: {  	s29 =	simm.s32 @p0 $0x2  }
0x39: {  	_ =	swait.ge @p0 [sflag:s29], $0x2700  }
0x3a: {  	[sflag:s29] =	ssyncset.done @p0 $0x0  }
0x3b: {  	[sflag:s29] =	ssyncadd.s32 @p0 $0xFFFFD900;
	s29 =	simm.s32 @!p0 $0x2  }
0x3c: {  	[hbm:s11], [sflag:s25] =	dma.local @!p0 [spmem:s28], $0x100  }
0x3d: {  	_ =	swait.ge @!p0 [sflag:s29], $0x100  }
0x3e: {  	[sflag:s29] =	ssyncset.done @!p0 $0x0  }
0x3f: {  	[sflag:s29] =	ssyncadd.s32 @!p0 $0xFFFFFF00  }
0x40: {  	s30 =	sshrl.u32 @!p0 s5, $0x3;
	[bflag:$0x0] =	sbarrier.arrive @!p0 $0xFFFF  }
0x41: {  	[spmem:s30], [sflag:s25] =	dma.local @!p0 [hbm:s12], $0x2700  }
0x42: {  	_ =	swait.ge @!p0 [sflag:s29], $0x2700  }
0x43: {  	[sflag:s29] =	ssyncset.done @!p0 $0x0  }
0x44: {  	[sflag:s29] =	ssyncadd.s32 @!p0 $0xFFFFD900  }
0x45: {  	[spmem:s28], [sflag:s25] =	dma.local @!p0 [hbm:s13], $0x100  }
0x46: {  	_ =	swait.ge @!p0 [sflag:s29], $0x100  }
0x47: {  	[sflag:s29] =	ssyncset.done @!p0 $0x0  }
0x48: {  	[sflag:s29] =	ssyncadd.s32 @!p0 $0xFFFFFF00;
	s29 =	simm.s32 $0x0  }
0x49: {  	[tilespmem:s20], [sflag:$0x2] =	stream.linear.gather [hbm4b:s14+s29], $0x2800, $0x38;
	[tilespmem:$0x1C900] =	vst v63  }
0x4a: {  	_ =	swait.ge [sflag:s19], $0x2800  }
0x4b: {  	[sflag:s19] =	ssyncset.done $0x0  }
0x4c: {  	[sflag:s19] =	ssyncadd.s32 $0xFFFFD800  }
0x4d: {  	s29 =	simm.s32 $0x13900;
	[bflag:$0x0] =	sbarrier.arrive $0xFFFF  }
0x4e: {  	[tilespmem:s22], [sflag:$0x1] =	stream.indirect.gather [hbm4b:s3+s21], $0x80, s29, s21, $0xb8;
	[tilespmem:$0x1C900] =	vst v63  }
0x4f: {  	s29 =	simm.s32 $0x200;
	_ =	swait.ge [sflag:s23], $0x4000  }
.LBB2_4:
0x50: {  	s30 =	sshra.s32 s29, $0x2;
	[sflag:s23] =	ssyncset.done $0x0;
	p1 =	sne.s32 s29, $0x9E00  }
.Ltmp1:
0x51: {  	s30 =	sadd.s32 $0x13900, s30;
	[sflag:s23] =	ssyncadd.s32 $0xFFFFC000;
	(pc) =	sbr.rel @p1 .LBB2_4-.Ltmp1, $3  }
0x52: {  	[tilespmem:s22], [sflag:$0x1] =	stream.indirect.gather [hbm4b:s3+s21], $0x80, s30, s21, $0xb8;
	[tilespmem:$0x1C900] =	vst v63  }
0x53: {  	s29 =	sadd.s32 $0x200, s29;
	_ =	sdelay $0x1  }
0x54: {  	_ =	swait.ge [sflag:s23], $0x4000  }
0x55: {  	[sflag:s23] =	ssyncset.done $0x0  }
0x56: {  	[sflag:s23] =	ssyncadd.s32 $0xFFFFC000  }
0x57: {  	[bflag:$0x0] =	sbarrier.arrive $0xFFFF  }
0x58: {  	[hbm:s15], [sflag:s25] =	dma.local [spmem:s26], $0x2700  }
0x59: {  	_ =	swait.ge [sflag:s19], $0x2700  }
0x5a: {  	[sflag:s19] =	ssyncset.done $0x0  }
0x5b: {  	s24 =	sadd.s32 $0x1, s24;
	[sflag:s19] =	ssyncadd.s32 $0xFFFFD900  }
0x5c: {  	[hbm:s16], [sflag:s25] =	dma.local @!p0 [spmem:s28], $0x100  }
0x5d: {  	p1 =	sne.s32 s24, s17;
	s25 =	simm.s32 @!p0 $0x2  }
.Ltmp2:
0x5e: {  	_ =	swait.ge @!p0 [sflag:s25], $0x100;
	(pc) =	sbr.rel @p1 .LBB2_1-.Ltmp2, $3  }
0x5f: {  	[sflag:s25] =	ssyncset.done @!p0 $0x0  }
0x60: {  	[sflag:s25] =	ssyncadd.s32 @!p0 $0xFFFFFF00  }
0x61: {  	[bflag:$0x0] =	sbarrier.arrive $0xFFFF;
	_ =	sdelay $0x1  }
0x62: {  	_ =	sfence.sel $0x180000  }
0x63: {  	[bflag:$0x0] =	sbarrier.arrive $0xFFFF  }
0x64: {  	_ =	strace $0x9000004A  }
0x65: {  	s0 =	sadd.s32 @!p0 $0x100000, s0;
	[bflag:$0x2] =	sbarrier.arrive $0xFFFF  }
0x66: {  	[sflag:s0] =	ssyncadd.tile.s32 @!p0 $0x1;
	_ =	shalt  }
.Lfunc_end2:
_tile_overlayer_lowered:
.L_overlay_start_2:
0x67: {  	(tag) =	ssettag $0x2  }
0x68: {  	s0 =	rddreg [dreg:$0x0];
	s2 =	stileid.u32  }
0x69: {  	s1 =	rddreg [dreg:$0x1];
	p0 =	sne.s32 s2, $0x0  }
0x6a: {  	s3 =	rddreg [dreg:$0x2];
	[bflag:$0x3] =	sbarrier.arrive $0xFFFF;
	s2 =	simm.s32 @!p0 $0x1C02  }
0x6b: {  	[timem:s3], [sflag:s2] =	dma.local @!p0 [hbm:s0], s1  }
0x6c: {  	s0 =	simm.s32 @!p0 $0x2  }
0x6d: {  	_ =	swait.ge @!p0 [sflag:s0], s1  }
0x6e: {  	s1 =	ssub.s32 @!p0 $0x0, s1;
	[sflag:s0] =	ssyncset.done @!p0 $0x0  }
0x6f: {  	[sflag:s0] =	ssyncadd.s32 @!p0 s1  }
0x70: {  	[bflag:$0x3] =	sbarrier.arrive $0xFFFF  }
0x71: {  	_ =	shalt  }

// kernel: kernel.14.cloned.1.call-start
scs
__scs_entry_jumppad:
0x0: {  	(pc) =	sbr.rel $0x88, $3  }
0x1: {  	(tag) =	ssettag $0x0;
	lr =	simm.s32 $0x1  }
0x2: {  	[smem:$0x3F97] =	sst lr;
	_ =	strace $0xD0000000  }
0x3: {  	_ = 	snop  }
0x4: {  	_ = 	snop  }
0x5: {  	_ = 	snop  }
0x6: {  	_ = 	snop  }
0x7: {  	_ = 	snop  }
__scs_overlays_trampoline_lowered:
0x8: {  	[smem:$0x3FA6] =	sst s0  }
0x9: {  	[smem:$0x3FA7] =	sst s1  }
0xa: {  	[smem:$0x3FA8] =	sst s2  }
0xb: {  	[smem:$0x3FA9] =	sst s3  }
0xc: {  	[smem:$0x3FAA] =	sst s4  }
0xd: {  	[smem:$0x3FAB] =	sst s5  }
0xe: {  	[smem:$0x3FAC] =	sst s6  }
0xf: {  	[smem:$0x3FAD] =	sst s7  }
0x10: {  	[smem:$0x3FAE] =	sst s8  }
0x11: {  	[smem:$0x3FAF] =	sst s9;
	s0 =	simm.s32 @!p0 $0x0  }
0x12: {  	s1 =	sld [smem:$0x3F95];
	s0 =	simm.s32 @p0 $0x1  }
0x13: {  	[smem:$0x3FB0] =	sst s0;
	s0 =	simm.s32 @!p1 $0x0  }
0x14: {  	s2 =	sld [smem:$0x3F94];
	s0 =	simm.s32 @p1 $0x1  }
0x15: {  	[smem:$0x3FB1] =	sst s0;
	s0 =	simm.s32 @!p2 $0x0  }
0x16: {  	s3 =	sld [smem:$0x3FDB];
	s0 =	simm.s32 @p2 $0x1  }
0x17: {  	s4 =	simm.s32 $0x1BF5;
	[smem:$0x3FB3] =	sst s0  }
0x18: {  	s0 =	sld [smem:$0x3F96];
	_ =	swait.ge [sflag:s4], $0x0  }
0x19: {  	s7 =	sld [smem:$0x3F97]  }
0x1a: {  	s8 =	sadd.s32 $0xFFFFE003, lr  }
0x1b: {  	s9 =	sadd.s32 $0xFFFFFEF7, lr;
	s5 =	simm.s32 $0xFFFFFFFF;
	p2 =	slt.u32 s8, $0xFFFFF086  }
0x1c: {  	p1 =	slt.u32 s9, $0xF7A;
	s5 =	simm.s32 @!p2 $0x0  }
0x1d: {  	s5 =	simm.s32 @p1 $0x1;
	p0 =	seq.s32 s7, s2  }
0x1e: {  	s7 =	smul.u32 @!p0 $0xF7A, s2;
	p2 =	seq.s32 @!p0 s5, $0x0  }
0x1f: {  	s9 =	smul.u32 $0xF7A, s1;
	s8 =	simm.s32 @!p0 $0x1BF5;
	p2 =	por !p2, p0  }
0x20: {  	[sflag:s8] =	ssyncset.s32 @!p0 $0xFFFFF086;
	s6 =	sadd.s32 @!p0 s3, s7;
	s7 =	simm.s32 @!p0 $0x108  }
0x21: {  	s3 =	sadd.s32 s3, s9;
	s6 =	sadd.s32 @!p0 $0x88, s6;
	s7 =	simm.s32 @p2 $0x1082  }
0x22: {  	[simem:s7], [sflag:s8] =	dma.local @!p0 [hbm:s6], $0xF7A  }
0x23: {  	s9 =	sor.u32 $0xD0000000, s2;
	s6 =	simm.s32 $0x108;
	_ =	swait.ge @!p0 [sflag:s8], $0x0  }
0x24: {  	s3 =	sadd.s32 $0x88, s3;
	s6 =	simm.s32 @!p1 $0x1082;
	[sflag:s4] =	ssyncset.s32 $0xFFFFF086  }
0x25: {  	[simem:s6], [sflag:s4] =	dma.local [hbm:s3], $0xF7A  }
0x26: {  	[smem:$0x3F97] =	sst s1;
	(tag) =	ssettag s2;
	_ =	strace s9  }
0x27: {  	s1 =	sld [smem:$0x3FA7]  }
0x28: {  	s2 =	sld [smem:$0x3FA8]  }
0x29: {  	s4 =	sld [smem:$0x3FAA]  }
0x2a: {  	p0 =	seq.s32 s5, $0x0;
	s5 =	sld [smem:$0x3FAB]  }
0x2b: {  	s6 =	sld [smem:$0x3FAC]  }
0x2c: {  	s7 =	sld [smem:$0x3FAD]  }
0x2d: {  	s3 =	simm.s32 $0x108;
	s8 =	sld [smem:$0x3FAE]  }
0x2e: {  	s3 =	simm.s32 @!p0 $0x1082;
	s9 =	sld [smem:$0x3FAF]  }
0x2f: {  	lr =	sadd.s32 s0, s3;
	s0 =	sld [smem:$0x3FA6]  }
0x30: {  	s3 =	sld [smem:$0x3FA9]  }
0x31: {  	[smem:$0x3FB2] =	sst s10  }
0x32: {  	s10 =	sld [smem:$0x3FB0];
	_ =	sdelay $0x3  }
0x33: {  	p0 =	seq.s32 s10, $0x1;
	s10 =	sld [smem:$0x3FB2];
	_ =	sdelay $0x3  }
0x34: {  	[smem:$0x3FB2] =	sst s10  }
0x35: {  	s10 =	sld [smem:$0x3FB1];
	_ =	sdelay $0x3  }
0x36: {  	p1 =	seq.s32 s10, $0x1;
	s10 =	sld [smem:$0x3FB2];
	_ =	sdelay $0x3  }
0x37: {  	[smem:$0x3FB2] =	sst s10  }
0x38: {  	s10 =	sld [smem:$0x3FB3]  }
0x39: {  	_ = 	snop;
	(pc) =	sbr.ind lr, $3  }
0x3a: {  	_ = 	snop  }
0x3b: {  	_ = 	snop  }
0x3c: {  	p2 =	seq.s32 s10, $0x1;
	s10 =	sld [smem:$0x3FB2]  }
0x3d: {  	_ =	shalt  }
0x3e: {  	_ =	shalt  }
0x3f: {  	_ =	shalt  }
0x40: {  	_ =	shalt  }
0x41: {  	_ =	shalt  }
0x42: {  	_ =	shalt  }
0x43: {  	_ =	shalt  }
0x44: {  	_ =	shalt  }
0x45: {  	_ =	shalt  }
0x46: {  	_ =	shalt  }
0x47: {  	_ =	shalt  }
0x48: {  	_ =	shalt  }
0x49: {  	_ =	shalt  }
0x4a: {  	_ =	shalt  }
0x4b: {  	_ =	shalt  }
0x4c: {  	_ =	shalt  }
0x4d: {  	_ =	shalt  }
0x4e: {  	_ =	shalt  }
0x4f: {  	_ =	shalt  }
0x50: {  	_ =	shalt  }
0x51: {  	_ =	shalt  }
0x52: {  	_ =	shalt  }
0x53: {  	_ =	shalt  }
0x54: {  	_ =	shalt  }
0x55: {  	_ =	shalt  }
0x56: {  	_ =	shalt  }
0x57: {  	_ =	shalt  }
0x58: {  	_ =	shalt  }
0x59: {  	_ =	shalt  }
0x5a: {  	_ =	shalt  }
0x5b: {  	_ =	shalt  }
0x5c: {  	_ =	shalt  }
0x5d: {  	_ =	shalt  }
0x5e: {  	_ =	shalt  }
0x5f: {  	_ =	shalt  }
0x60: {  	_ =	shalt  }
0x61: {  	_ =	shalt  }
0x62: {  	_ =	shalt  }
0x63: {  	_ =	shalt  }
0x64: {  	_ =	shalt  }
0x65: {  	_ =	shalt  }
0x66: {  	_ =	shalt  }
0x67: {  	_ =	shalt  }
0x68: {  	_ =	shalt  }
0x69: {  	_ =	shalt  }
0x6a: {  	_ =	shalt  }
0x6b: {  	_ =	shalt  }
0x6c: {  	_ =	shalt  }
0x6d: {  	_ =	shalt  }
0x6e: {  	_ =	shalt  }
0x6f: {  	_ =	shalt  }
0x70: {  	_ =	shalt  }
0x71: {  	_ =	shalt  }
0x72: {  	_ =	shalt  }
0x73: {  	_ =	shalt  }
0x74: {  	_ =	shalt  }
0x75: {  	_ =	shalt  }
0x76: {  	_ =	shalt  }
0x77: {  	_ =	shalt  }
0x78: {  	_ =	shalt  }
0x79: {  	_ =	shalt  }
0x7a: {  	_ =	shalt  }
0x7b: {  	_ =	shalt  }
0x7c: {  	_ =	shalt  }
0x7d: {  	_ =	shalt  }
0x7e: {  	_ =	shalt  }
0x7f: {  	_ =	shalt  }
0x80: {  	_ =	shalt  }
0x81: {  	_ =	shalt  }
0x82: {  	_ =	shalt  }
0x83: {  	_ =	shalt  }
0x84: {  	_ =	shalt  }
0x85: {  	_ =	shalt  }
0x86: {  	_ =	shalt  }
0x87: {  	_ =	shalt  }
.Lfunc_end0:
.L_simem_size_0:
called_computation.2_lowered:
.L_overlay_start_0:
0x88: {  	s2 =	sld [smem:$0x3FD9]  }
0x89: {  	s3 =	sld [smem:$0x3FFE];
	_ =	sdelay $0x1  }
0x8a: {  	s1 =	srdreg.scid  }
0x8b: {  	s0 =	sand.u32 $0x1, s1  }
0x8c: {  	s16 =	sshll.u32 s0, $0xA;
	s2 =	sadd.s32 s3, s2  }
0x8d: {  	s2 =	sadd.s32 s2, s16  }
0x8e: {  	[smem:$0x3FBE] =	sst s2  }
0x8f: {  	_ = 	snop  }
0x90: {  	(tm) =	ssettm $0x1  }
0x91: {  	s17 =	sld [smem:$0x3FFB];
	_ =	sdelay $0x3  }
0x92: {  	_ =	strace s17  }
0x93: {  	s2 =	sld [smem:$0x3FFC];
	_ =	sdelay $0x3  }
0x94: {  	_ =	strace s2  }
0x95: {  	s2 =	sld [smem:$0x3FFD];
	_ =	sdelay $0x3  }
0x96: {  	_ =	strace s2  }
0x97: {  	_ =	strace $0x8FFFFFFF  }
0x98: {  	s18 =	sld [smem:$0x3FDB];
	_ =	sdelay $0x1  }
0x99: {  	s19 =	simm.s32 $_scs_section_size  }
0x9a: {  	s4 =	simm.s32 $_size__tile_overlayer_lowered;
	s5 =	simm.s32 $_tile_overlayer_lowered  }
0x9b: {  	s22 =	simm.s32 $0x1BFF;
	s21 =	sshll.u32 s5, $0x1;
	s2 =	sadd.s32 s19, s18  }
0x9c: {  	s6 =	simm.s32 $0x0;
	s20 =	sshll.u32 s4, $0x1;
	s4 =	sadd.s32 s21, s2  }
0x9d: {  	[timem:s6], [sflag:s22] =	dma.local [hbm:s4], s20  }
0x9e: {  	_ =	swait.ge [sflag:s22], s20  }
0x9f: {  	s3 =	ssub.s32 $0x0, s20;
	[sflag:s22] =	ssyncset.done $0x0  }
0xa0: {  	[sflag:s22] =	ssyncadd.s32 s3;
	_ =	sdelay $0x1  }
0xa1: {  	s23 =	simm.s32 $0x1B8B  }
0xa2: {  	_ =	swait.ge [sflag:s23], $0x1  }
0xa3: {  	[sflag:s23] =	ssyncset.done $0x0  }
0xa4: {  	s25 =	simm.s32 $0x1B8E;
	s24 =	sld [smem:$0x3FFE];
	[sflag:s23] =	ssyncadd.s32 $0xFFFFFFFF  }
0xa5: {  	s26 =	simm.s32 $execute0_lowered;
	[smem:$0x3FD2] =	sst s25  }
0xa6: {  	s4 =	sshll.u32 s26, $0x1;
	_ =	strace $0x8000004C;
	[dreg:$0x1] =	wrdreg $0xFFFFFFFF  }
0xa7: {  	s28 =	simm.s32 $_size_execute0_lowered;
	s2 =	sadd.s32 s2, s4;
	[dreg:$0x0] =	wrdreg $0x0  }
0xa8: {  	s4 =	sshll.u32 s28, $0x1;
	[dreg:$0x2] =	wrdreg s2  }
0xa9: {  	[dreg:$0x3] =	wrdreg s4  }
0xaa: {  	[dreg:$0x4] =	wrdreg $0xC0  }
0xab: {  	_ =	task [dreg:s6], $0x5FFFF  }
0xac: {  	[dreg:$0x1] =	wrdreg $0xFFFFFFFF  }
0xad: {  	[dreg:$0x0] =	wrdreg $0x60  }
0xae: {  	[dreg:$0x2] =	wrdreg s24  }
0xaf: {  	[dreg:$0x3] =	wrdreg $0x0  }
0xb0: {  	[dreg:$0x4] =	wrdreg $0x9  }
0xb1: {  	_ =	task.clear_ibuf [dreg:s6], $0x5FFFF;
	_ =	strace $0x9000004C  }
0xb2: {  	s29 =	simm.s32 $0x9;
	_ =	strace $0x8000004E  }
0xb3: {  	_ =	swait.ge [sflag:s29], $0x1  }
0xb4: {  	[sflag:s29] =	ssyncadd.s32 $0xFFFFFFFF  }
0xb5: {  	_ =	strace $0x9000004E  }
0xb6: {  	_ =	sfence  }
0xb7: {  	s30 =	sld [smem:$0x0];
	_ =	sdelay $0x2  }
0xb8: {  	s31 =	sshll.u32 s1, $0xD;
	s1 =	sshrl.u32 s1, $0x2  }
0xb9: {  	s3 =	sand.u32 $0x4000, s31;
	s1 =	sadd.s32 s1, s30  }
0xba: {  	s0 =	sor.u32 s3, s0;
	s1 =	sshll.u32 s1, $0x11  }
0xbb: {  	s0 =	sor.u32 s1, s0  }
0xbc: {  	s0 =	sadd.s32 $0x8F2B, s0  }
0xbd: {  	[sflag:s0] =	ssyncadd.remote.s32 $0x1  }
0xbe: {  	_ =	sfence.sel $0xFFFF  }
0xbf: {  	[dreg:$0x0] =	wrdreg $0xFFFFFFFF;
	(pc) =	sbr.abs _section_cstart, $3  }
0xc0: {  	[dreg:$0x1] =	wrdreg $0xFFFFFFFF  }
0xc1: {  	_ =	task.clear_ibuf [dreg:s6], $0x2FFFF;
	_ =	strace $0x9FFFFFFF  }
0xc2: {  	(tm) =	ssettm $0x7FFFFFFF  }
0xc3: {  	_ =	shalt  }
tec
execute0_lowered:
.L_overlay_start_1:
0x0: {  	(tag) =	ssettag $0x1  }
0x1: {  	s0 =	rddreg [dreg:$0x0]  }
0x2: {  	s2 =	rddreg [dreg:$0x1];
	s1 =	simm.s32 $0x0;
	s29 =	stileid.u32  }
0x3: {  	s3 =	srdreg.scid;
	s30 =	simm.s32 $0x2;
	s22 =	smul.u32 $0x500, s29  }
0x4: {  	s31 =	simm.s32 $0x13900;
	[smem:$0x7FF] =	sst s1;
	s6 =	smul.u32 $0x270, s29  }
0x5: {  	s4 =	sand.u32 $0x1, s3;
	s3 =	sadd.s32 $0x1F1600, s0;
	s7 =	smul.u32 $0x4E000, s29  }
0x6: {  	s8 =	sadd.s32 $0x7200, s0;
	s1 =	sadd.s32 $0x2F200, s0;
	p0 =	sne.s32 s29, $0x0  }
0x7: {  	_ =	strace $0x8000004D;
	s5 =	ssub.s32 $0x2, s4;
	s10 =	smul.u32 $0x9C40, s4  }
0x8: {  	s26 =	smul.u32 $0x4E2000, s4;
	s12 =	sshll.u32 s4, $0x6;
	s9 =	sshrl.u32 s5, $0x1  }
0x9: {  	s11 =	sadd.s32 s22, s0;
	s24 =	sshrl.u32 s7, $0x2;
	s0 =	ssub.s32 s5, s9  }
0xa: {  	s23 =	sadd.s32 $0x2200, s11;
	s25 =	sadd.s32 s6, s10;
	s5 =	sadd.s32 s24, s2  }
0xb: {  	s10 =	sor.u32 s29, s12;
	s9 =	sshrl.u32 s26, $0x3;
	s12 =	sshll.u32 s4, $0x2  }
0xc: {  	s2 =	sadd.s32 $0x138000, s2;
	s4 =	sshllo.u32 s4, $0x2;
	[dreg:$0x3] =	wrdreg s23  }
0xd: {  	s7 =	sshll.u32 s25, $0x4;
	s10 =	smul.u32 $0x500, s10;
	[dreg:$0x5] =	wrdreg s2  }
0xe: {  	s14 =	sadd.s32 $0x27000, s9;
	s15 =	sor.u32 $0x1, s12;
	s20 =	sor.u32 $0x2, s12  }
0xf: {  	s21 =	sshll.u32 s4, $0x4;
	s28 =	smax.u32 s0, $0x1;
	s0 =	simm.s32 $0x80  }
0x10: {  	s13 =	sadd.s32 s3, s7;
	s16 =	sadd.s32 s3, s14;
	s17 =	smul.u32 $0x2710, s15  }
0x11: {  	s7 =	sadd.s32 s1, s7;
	s9 =	smul.u32 $0x138800, s15;
	[dreg:$0x4] =	wrdreg s13  }
0x12: {  	s2 =	sadd.s32 s1, s14;
	s14 =	smul.u32 $0x2710, s4;
	[dreg:$0x6] =	wrdreg s16  }
0x13: {  	s18 =	sshll.u32 s15, $0x4;
	s4 =	smul.u32 $0x138800, s4;
	[dreg:$0x8] =	wrdreg s7  }
0x14: {  	s10 =	sadd.s32 s8, s10;
	[dreg:$0x9] =	wrdreg s2;
	s13 =	smul.u32 $0x2710, s20  }
0x15: {  	s2 =	sor.u32 s29, s18;
	s18 =	smul.u32 $0x138800, s20;
	s16 =	sor.u32 s29, s21  }
0x16: {  	[dreg:$0x7] =	wrdreg s10;
	s19 =	sadd.s32 s6, s17;
	s2 =	smul.u32 $0x500, s2  }
0x17: {  	s9 =	sshrl.u32 s9, $0x3;
	s10 =	sshll.u32 s20, $0x4;
	s22 =	smul.u32 $0x500, s16  }
0x18: {  	s4 =	sshrl.u32 s4, $0x3;
	s7 =	sshll.u32 s19, $0x4;
	s9 =	sadd.s32 $0x27000, s9  }
0x19: {  	s17 =	sadd.s32 s6, s13;
	s10 =	sor.u32 s29, s10;
	s6 =	sadd.s32 s6, s14  }
0x1a: {  	s24 =	sshrl.u32 s18, $0x3;
	s26 =	sadd.s32 $0x27000, s4;
	s29 =	simm.s32 $0x1  }
0x1b: {  	s12 =	sadd.s32 s3, s7;
	s13 =	sadd.s32 s3, s9;
	s10 =	smul.u32 $0x500, s10  }
0x1c: {  	s14 =	sadd.s32 s8, s2;
	s15 =	sadd.s32 s1, s7;
	s16 =	sadd.s32 s1, s9  }
0x1d: {  	s23 =	sshll.u32 s17, $0x4;
	s18 =	sadd.s32 s8, s22;
	s25 =	sadd.s32 $0x27000, s24  }
0x1e: {  	s6 =	sshll.u32 s6, $0x4;
	s2 =	simm.s32 $0x18900;
	s19 =	sadd.s32 s3, s23  }
0x1f: {  	s20 =	sadd.s32 s1, s23;
	s21 =	sadd.s32 s3, s25;
	s22 =	sadd.s32 s1, s25  }
0x20: {  	s23 =	sadd.s32 s3, s6;
	s24 =	sadd.s32 s1, s6;
	s25 =	sadd.s32 s1, s26  }
0x21: {  	s26 =	sadd.s32 s3, s26;
	s1 =	simm.s32 $0x0;
	s17 =	sadd.s32 s8, s10  }
.LBB2_1:
0x22: {  	s9 =	simm.s32 $0x0;
	s4 =	rddreg [dreg:$0x3];
	s6 =	simm.s32 $0x16100  }
0x23: {  	[tilespmem:s6], [sflag:$0x2] =	stream.linear.gather [hbm4b:s4+s9], $0x2800, $0x38;
	[tilespmem:$0x1C900] =	vst v63  }
0x24: {  	s8 =	stileid.u32;
	_ =	swait.ge [sflag:s30], $0x2800  }
0x25: {  	s4 =	sshll.u32 s8, $0x6;
	s6 =	sshrl.u32 s5, $0x3;
	[sflag:s30] =	ssyncset.done $0x0  }
0x26: {  	s4 =	sor.u32 $0x1C02, s4;
	s7 =	rddreg [dreg:$0x4];
	[sflag:s30] =	ssyncadd.s32 $0xFFFFD800  }
0x27: {  	[spmem:s6], [sflag:s4] =	dma.local [hbm:s7], $0x2700  }
0x28: {  	_ =	swait.ge [sflag:s30], $0x2700  }
0x29: {  	[sflag:s30] =	ssyncset.done $0x0;
	s7 =	rddreg [dreg:$0x5]  }
0x2a: {  	s8 =	rddreg [dreg:$0x6];
	[sflag:s30] =	ssyncadd.s32 $0xFFFFD900;
	s7 =	sshrl.u32 @!p0 s7, $0x3  }
0x2b: {  	[spmem:s7], [sflag:s4] =	dma.local @!p0 [hbm:s8], $0x100  }
0x2c: {  	s8 =	simm.s32 @!p0 $0x2  }
0x2d: {  	_ =	swait.ge @!p0 [sflag:s8], $0x100  }
0x2e: {  	[sflag:s8] =	ssyncset.done @!p0 $0x0  }
0x2f: {  	s10 =	rddreg [dreg:$0x7];
	[sflag:s8] =	ssyncadd.s32 @!p0 $0xFFFFFF00  }
0x30: {  	[tilespmem:s31], [sflag:$0x2] =	stream.linear.gather [hbm4b:s10+s9], $0x2800, $0x38;
	[tilespmem:$0x1C900] =	vst v63  }
0x31: {  	_ =	swait.ge [sflag:s30], $0x2800  }
0x32: {  	[sflag:s30] =	ssyncset.done $0x0  }
0x33: {  	[sflag:s30] =	ssyncadd.s32 $0xFFFFD800  }
0x34: {  	s11 =	simm.s32 $0x13900;
	[bflag:$0x0] =	sbarrier.arrive $0xFFFF  }
0x35: {  	[tilespmem:s2], [sflag:$0x1] =	stream.indirect.gather [hbm4b:s3+s0], $0x80, s11, s0, $0xb8;
	[tilespmem:$0x1C900] =	vst v63  }
0x36: {  	s8 =	simm.s32 $0x200;
	_ =	swait.ge [sflag:s29], $0x4000  }
.LBB2_2:
0x37: {  	s9 =	sshra.s32 s8, $0x2;
	[sflag:s29] =	ssyncset.done $0x0;
	p1 =	sne.s32 s8, $0x9E00  }
.Ltmp0:
0x38: {  	s9 =	sadd.s32 $0x13900, s9;
	[sflag:s29] =	ssyncadd.s32 $0xFFFFC000;
	(pc) =	sbr.rel @p1 .LBB2_2-.Ltmp0, $3  }
0x39: {  	[tilespmem:s2], [sflag:$0x1] =	stream.indirect.gather [hbm4b:s3+s0], $0x80, s9, s0, $0xb8;
	[tilespmem:$0x1C900] =	vst v63  }
0x3a: {  	s8 =	sadd.s32 $0x200, s8;
	_ =	sdelay $0x1  }
0x3b: {  	_ =	swait.ge [sflag:s29], $0x4000  }
0x3c: {  	[sflag:s29] =	ssyncset.done $0x0  }
0x3d: {  	[sflag:s29] =	ssyncadd.s32 $0xFFFFC000  }
0x3e: {  	[bflag:$0x0] =	sbarrier.arrive $0xFFFF  }
0x3f: {  	s8 =	rddreg [dreg:$0x8]  }
0x40: {  	[hbm:s8], [sflag:s4] =	dma.local [spmem:s6], $0x2700  }
0x41: {  	_ =	swait.ge [sflag:s30], $0x2700  }
0x42: {  	[sflag:s30] =	ssyncset.done $0x0  }
0x43: {  	[sflag:s30] =	ssyncadd.s32 $0xFFFFD900  }
0x44: {  	s9 =	simm.s32 @p0 $0x2;
	s8 =	sshrl.u32 @p0 s5, $0x3;
	[bflag:$0x0] =	sbarrier.arrive @p0 $0xFFFF  }
0x45: {  	[spmem:s8], [sflag:s4] =	dma.local @p0 [hbm:s12], $0x2700  }
0x46: {  	_ =	swait.ge @p0 [sflag:s9], $0x2700  }
0x47: {  	[sflag:s9] =	ssyncset.done @p0 $0x0  }
0x48: {  	s10 =	simm.s32 @!p0 $0x2;
	[sflag:s9] =	ssyncadd.s32 @p0 $0xFFFFD900;
	s9 =	rddreg [dreg:$0x9]  }
0x49: {  	[hbm:s9], [sflag:s4] =	dma.local @!p0 [spmem:s7], $0x100  }
0x4a: {  	_ =	swait.ge @!p0 [sflag:s10], $0x100  }
0x4b: {  	[sflag:s10] =	ssyncset.done @!p0 $0x0  }
0x4c: {  	[sflag:s10] =	ssyncadd.s32 @!p0 $0xFFFFFF00  }
0x4d: {  	s9 =	sshrl.u32 @!p0 s5, $0x3;
	[bflag:$0x0] =	sbarrier.arrive @!p0 $0xFFFF  }
0x4e: {  	[spmem:s9], [sflag:s4] =	dma.local @!p0 [hbm:s12], $0x2700  }
0x4f: {  	_ =	swait.ge @!p0 [sflag:s10], $0x2700  }
0x50: {  	[sflag:s10] =	ssyncset.done @!p0 $0x0  }
0x51: {  	[sflag:s10] =	ssyncadd.s32 @!p0 $0xFFFFD900  }
0x52: {  	[spmem:s7], [sflag:s4] =	dma.local @!p0 [hbm:s13], $0x100  }
0x53: {  	_ =	swait.ge @!p0 [sflag:s10], $0x100  }
0x54: {  	[sflag:s10] =	ssyncset.done @!p0 $0x0  }
0x55: {  	s11 =	simm.s32 $0x0;
	[sflag:s10] =	ssyncadd.s32 @!p0 $0xFFFFFF00  }
0x56: {  	[tilespmem:s31], [sflag:$0x2] =	stream.linear.gather [hbm4b:s14+s11], $0x2800, $0x38;
	[tilespmem:$0x1C900] =	vst v63  }
0x57: {  	_ =	swait.ge [sflag:s30], $0x2800  }
0x58: {  	[sflag:s30] =	ssyncset.done $0x0  }
0x59: {  	[sflag:s30] =	ssyncadd.s32 $0xFFFFD800  }
0x5a: {  	s11 =	simm.s32 $0x13900;
	[bflag:$0x0] =	sbarrier.arrive $0xFFFF  }
0x5b: {  	[tilespmem:s2], [sflag:$0x1] =	stream.indirect.gather [hbm4b:s3+s0], $0x80, s11, s0, $0xb8;
	[tilespmem:$0x1C900] =	vst v63  }
0x5c: {  	s10 =	simm.s32 $0x200;
	_ =	swait.ge [sflag:s29], $0x4000  }
.LBB2_4:
0x5d: {  	s11 =	sshra.s32 s10, $0x2;
	[sflag:s29] =	ssyncset.done $0x0;
	p1 =	sne.s32 s10, $0x9E00  }
.Ltmp1:
0x5e: {  	s11 =	sadd.s32 $0x13900, s11;
	[sflag:s29] =	ssyncadd.s32 $0xFFFFC000;
	(pc) =	sbr.rel @p1 .LBB2_4-.Ltmp1, $3  }
0x5f: {  	[tilespmem:s2], [sflag:$0x1] =	stream.indirect.gather [hbm4b:s3+s0], $0x80, s11, s0, $0xb8;
	[tilespmem:$0x1C900] =	vst v63  }
0x60: {  	s10 =	sadd.s32 $0x200, s10;
	_ =	sdelay $0x1  }
0x61: {  	_ =	swait.ge [sflag:s29], $0x4000  }
0x62: {  	[sflag:s29] =	ssyncset.done $0x0  }
0x63: {  	[sflag:s29] =	ssyncadd.s32 $0xFFFFC000  }
0x64: {  	[bflag:$0x0] =	sbarrier.arrive $0xFFFF  }
0x65: {  	[hbm:s15], [sflag:s4] =	dma.local [spmem:s6], $0x2700  }
0x66: {  	_ =	swait.ge [sflag:s30], $0x2700  }
0x67: {  	[sflag:s30] =	ssyncset.done $0x0  }
0x68: {  	[sflag:s30] =	ssyncadd.s32 $0xFFFFD900  }
0x69: {  	s10 =	simm.s32 @p0 $0x2;
	[bflag:$0x0] =	sbarrier.arrive @p0 $0xFFFF  }
0x6a: {  	[spmem:s8], [sflag:s4] =	dma.local @p0 [hbm:s19], $0x2700  }
0x6b: {  	_ =	swait.ge @p0 [sflag:s10], $0x2700  }
0x6c: {  	[sflag:s10] =	ssyncset.done @p0 $0x0  }
0x6d: {  	[sflag:s10] =	ssyncadd.s32 @p0 $0xFFFFD900;
	s10 =	simm.s32 @!p0 $0x2  }
0x6e: {  	[hbm:s16], [sflag:s4] =	dma.local @!p0 [spmem:s7], $0x100  }
0x6f: {  	_ =	swait.ge @!p0 [sflag:s10], $0x100  }
0x70: {  	[sflag:s10] =	ssyncset.done @!p0 $0x0  }
0x71: {  	[sflag:s10] =	ssyncadd.s32 @!p0 $0xFFFFFF00  }
0x72: {  	[bflag:$0x0] =	sbarrier.arrive @!p0 $0xFFFF  }
0x73: {  	[spmem:s9], [sflag:s4] =	dma.local @!p0 [hbm:s19], $0x2700  }
0x74: {  	_ =	swait.ge @!p0 [sflag:s10], $0x2700  }
0x75: {  	[sflag:s10] =	ssyncset.done @!p0 $0x0  }
0x76: {  	[sflag:s10] =	ssyncadd.s32 @!p0 $0xFFFFD900  }
0x77: {  	[spmem:s7], [sflag:s4] =	dma.local @!p0 [hbm:s21], $0x100  }
0x78: {  	_ =	swait.ge @!p0 [sflag:s10], $0x100  }
0x79: {  	[sflag:s10] =	ssyncset.done @!p0 $0x0  }
0x7a: {  	s11 =	simm.s32 $0x0;
	[sflag:s10] =	ssyncadd.s32 @!p0 $0xFFFFFF00  }
0x7b: {  	[tilespmem:s31], [sflag:$0x2] =	stream.linear.gather [hbm4b:s17+s11], $0x2800, $0x38;
	[tilespmem:$0x1C900] =	vst v63  }
0x7c: {  	_ =	swait.ge [sflag:s30], $0x2800  }
0x7d: {  	[sflag:s30] =	ssyncset.done $0x0  }
0x7e: {  	[sflag:s30] =	ssyncadd.s32 $0xFFFFD800  }
0x7f: {  	s11 =	simm.s32 $0x13900;
	[bflag:$0x0] =	sbarrier.arrive $0xFFFF  }
0x80: {  	[tilespmem:s2], [sflag:$0x1] =	stream.indirect.gather [hbm4b:s3+s0], $0x80, s11, s0, $0xb8;
	[tilespmem:$0x1C900] =	vst v63  }
0x81: {  	s10 =	simm.s32 $0x200;
	_ =	swait.ge [sflag:s29], $0x4000  }
.LBB2_6:
0x82: {  	s11 =	sshra.s32 s10, $0x2;
	[sflag:s29] =	ssyncset.done $0x0;
	p1 =	sne.s32 s10, $0x9E00  }
.Ltmp2:
0x83: {  	s11 =	sadd.s32 $0x13900, s11;
	[sflag:s29] =	ssyncadd.s32 $0xFFFFC000;
	(pc) =	sbr.rel @p1 .LBB2_6-.Ltmp2, $3  }
0x84: {  	[tilespmem:s2], [sflag:$0x1] =	stream.indirect.gather [hbm4b:s3+s0], $0x80, s11, s0, $0xb8;
	[tilespmem:$0x1C900] =	vst v63  }
0x85: {  	s10 =	sadd.s32 $0x200, s10;
	_ =	sdelay $0x1  }
0x86: {  	_ =	swait.ge [sflag:s29], $0x4000  }
0x87: {  	[sflag:s29] =	ssyncset.done $0x0  }
0x88: {  	[sflag:s29] =	ssyncadd.s32 $0xFFFFC000  }
0x89: {  	[bflag:$0x0] =	sbarrier.arrive $0xFFFF  }
0x8a: {  	[hbm:s20], [sflag:s4] =	dma.local [spmem:s6], $0x2700  }
0x8b: {  	_ =	swait.ge [sflag:s30], $0x2700  }
0x8c: {  	[sflag:s30] =	ssyncset.done $0x0  }
0x8d: {  	[sflag:s30] =	ssyncadd.s32 $0xFFFFD900  }
0x8e: {  	[bflag:$0x0] =	sbarrier.arrive @p0 $0xFFFF  }
0x8f: {  	[spmem:s8], [sflag:s4] =	dma.local @p0 [hbm:s23], $0x2700  }
0x90: {  	s8 =	simm.s32 @p0 $0x2  }
0x91: {  	_ =	swait.ge @p0 [sflag:s8], $0x2700  }
0x92: {  	[sflag:s8] =	ssyncset.done @p0 $0x0  }
0x93: {  	[sflag:s8] =	ssyncadd.s32 @p0 $0xFFFFD900;
	s8 =	simm.s32 @!p0 $0x2  }
0x94: {  	[hbm:s22], [sflag:s4] =	dma.local @!p0 [spmem:s7], $0x100  }
0x95: {  	_ =	swait.ge @!p0 [sflag:s8], $0x100  }
0x96: {  	[sflag:s8] =	ssyncset.done @!p0 $0x0  }
0x97: {  	[sflag:s8] =	ssyncadd.s32 @!p0 $0xFFFFFF00  }
0x98: {  	[bflag:$0x0] =	sbarrier.arrive @!p0 $0xFFFF  }
0x99: {  	[spmem:s9], [sflag:s4] =	dma.local @!p0 [hbm:s23], $0x2700  }
0x9a: {  	_ =	swait.ge @!p0 [sflag:s8], $0x2700  }
0x9b: {  	[sflag:s8] =	ssyncset.done @!p0 $0x0  }
0x9c: {  	[sflag:s8] =	ssyncadd.s32 @!p0 $0xFFFFD900  }
0x9d: {  	[spmem:s7], [sflag:s4] =	dma.local @!p0 [hbm:s26], $0x100  }
0x9e: {  	_ =	swait.ge @!p0 [sflag:s8], $0x100  }
0x9f: {  	[sflag:s8] =	ssyncset.done @!p0 $0x0  }
0xa0: {  	s10 =	simm.s32 $0x0;
	[sflag:s8] =	ssyncadd.s32 @!p0 $0xFFFFFF00  }
0xa1: {  	[tilespmem:s31], [sflag:$0x2] =	stream.linear.gather [hbm4b:s18+s10], $0x2800, $0x38;
	[tilespmem:$0x1C900] =	vst v63  }
0xa2: {  	_ =	swait.ge [sflag:s30], $0x2800  }
0xa3: {  	[sflag:s30] =	ssyncset.done $0x0  }
0xa4: {  	[sflag:s30] =	ssyncadd.s32 $0xFFFFD800  }
0xa5: {  	s11 =	simm.s32 $0x13900;
	[bflag:$0x0] =	sbarrier.arrive $0xFFFF  }
0xa6: {  	[tilespmem:s2], [sflag:$0x1] =	stream.indirect.gather [hbm4b:s3+s0], $0x80, s11, s0, $0xb8;
	[tilespmem:$0x1C900] =	vst v63  }
0xa7: {  	s8 =	simm.s32 $0x200;
	_ =	swait.ge [sflag:s29], $0x4000  }
.LBB2_8:
0xa8: {  	s9 =	sshra.s32 s8, $0x2;
	[sflag:s29] =	ssyncset.done $0x0;
	p1 =	sne.s32 s8, $0x9E00  }
.Ltmp3:
0xa9: {  	s9 =	sadd.s32 $0x13900, s9;
	[sflag:s29] =	ssyncadd.s32 $0xFFFFC000;
	(pc) =	sbr.rel @p1 .LBB2_8-.Ltmp3, $3  }
0xaa: {  	[tilespmem:s2], [sflag:$0x1] =	stream.indirect.gather [hbm4b:s3+s0], $0x80, s9, s0, $0xb8;
	[tilespmem:$0x1C900] =	vst v63  }
0xab: {  	s8 =	sadd.s32 $0x200, s8;
	_ =	sdelay $0x1  }
0xac: {  	_ =	swait.ge [sflag:s29], $0x4000  }
0xad: {  	[sflag:s29] =	ssyncset.done $0x0  }
0xae: {  	[sflag:s29] =	ssyncadd.s32 $0xFFFFC000  }
0xaf: {  	[bflag:$0x0] =	sbarrier.arrive $0xFFFF  }
0xb0: {  	[hbm:s24], [sflag:s4] =	dma.local [spmem:s6], $0x2700  }
0xb1: {  	_ =	swait.ge [sflag:s30], $0x2700  }
0xb2: {  	[sflag:s30] =	ssyncset.done $0x0  }
0xb3: {  	s1 =	sadd.s32 $0x1, s1;
	[sflag:s30] =	ssyncadd.s32 $0xFFFFD900  }
0xb4: {  	[hbm:s25], [sflag:s4] =	dma.local @!p0 [spmem:s7], $0x100  }
0xb5: {  	p1 =	sne.s32 s1, s28;
	s4 =	simm.s32 @!p0 $0x2  }
.Ltmp4:
0xb6: {  	_ =	swait.ge @!p0 [sflag:s4], $0x100;
	(pc) =	sbr.rel @p1 .LBB2_1-.Ltmp4, $3  }
0xb7: {  	[sflag:s4] =	ssyncset.done @!p0 $0x0  }
0xb8: {  	[sflag:s4] =	ssyncadd.s32 @!p0 $0xFFFFFF00  }
0xb9: {  	[bflag:$0x0] =	sbarrier.arrive $0xFFFF;
	_ =	sdelay $0x1  }
0xba: {  	_ =	sfence.sel $0x180000  }
0xbb: {  	[bflag:$0x0] =	sbarrier.arrive $0xFFFF  }
0xbc: {  	_ =	strace $0x9000004D  }
0xbd: {  	[bflag:$0x2] =	sbarrier.arrive $0xFFFF  }
0xbe: {  	s0 =	rddreg [dreg:$0x2]  }
0xbf: {  	s0 =	sadd.s32 @!p0 $0x100000, s0  }
0xc0: {  	[sflag:s0] =	ssyncadd.tile.s32 @!p0 $0x1;
	_ =	shalt  }
.Lfunc_end2:
_tile_overlayer_lowered:
.L_overlay_start_2:
0xc1: {  	(tag) =	ssettag $0x2  }
0xc2: {  	s0 =	rddreg [dreg:$0x0];
	s2 =	stileid.u32  }
0xc3: {  	s1 =	rddreg [dreg:$0x1];
	p0 =	sne.s32 s2, $0x0  }
0xc4: {  	s3 =	rddreg [dreg:$0x2];
	[bflag:$0x3] =	sbarrier.arrive $0xFFFF;
	s2 =	simm.s32 @!p0 $0x1C02  }
0xc5: {  	[timem:s3], [sflag:s2] =	dma.local @!p0 [hbm:s0], s1  }
0xc6: {  	s0 =	simm.s32 @!p0 $0x2  }
0xc7: {  	_ =	swait.ge @!p0 [sflag:s0], s1  }
0xc8: {  	s1 =	ssub.s32 @!p0 $0x0, s1;
	[sflag:s0] =	ssyncset.done @!p0 $0x0  }
0xc9: {  	[sflag:s0] =	ssyncadd.s32 @!p0 s1  }
0xca: {  	[bflag:$0x3] =	sbarrier.arrive $0xFFFF  }
0xcb: {  	_ =	shalt  }

// kernel: kernel.8.cloned.1.call-start
scs
__scs_entry_jumppad:
0x0: {  	(pc) =	sbr.rel $0x88, $3  }
0x1: {  	(tag) =	ssettag $0x0;
	lr =	simm.s32 $0x1  }
0x2: {  	[smem:$0x3F97] =	sst lr;
	_ =	strace $0xD0000000  }
0x3: {  	_ = 	snop  }
0x4: {  	_ = 	snop  }
0x5: {  	_ = 	snop  }
0x6: {  	_ = 	snop  }
0x7: {  	_ = 	snop  }
__scs_overlays_trampoline_lowered:
0x8: {  	[smem:$0x3FA6] =	sst s0  }
0x9: {  	[smem:$0x3FA7] =	sst s1  }
0xa: {  	[smem:$0x3FA8] =	sst s2  }
0xb: {  	[smem:$0x3FA9] =	sst s3  }
0xc: {  	[smem:$0x3FAA] =	sst s4  }
0xd: {  	[smem:$0x3FAB] =	sst s5  }
0xe: {  	[smem:$0x3FAC] =	sst s6  }
0xf: {  	[smem:$0x3FAD] =	sst s7  }
0x10: {  	[smem:$0x3FAE] =	sst s8  }
0x11: {  	[smem:$0x3FAF] =	sst s9;
	s0 =	simm.s32 @!p0 $0x0  }
0x12: {  	s1 =	sld [smem:$0x3F95];
	s0 =	simm.s32 @p0 $0x1  }
0x13: {  	[smem:$0x3FB0] =	sst s0;
	s0 =	simm.s32 @!p1 $0x0  }
0x14: {  	s2 =	sld [smem:$0x3F94];
	s0 =	simm.s32 @p1 $0x1  }
0x15: {  	[smem:$0x3FB1] =	sst s0;
	s0 =	simm.s32 @!p2 $0x0  }
0x16: {  	s3 =	sld [smem:$0x3FDB];
	s0 =	simm.s32 @p2 $0x1  }
0x17: {  	s4 =	simm.s32 $0x1BF5;
	[smem:$0x3FB3] =	sst s0  }
0x18: {  	s0 =	sld [smem:$0x3F96];
	_ =	swait.ge [sflag:s4], $0x0  }
0x19: {  	s7 =	sld [smem:$0x3F97]  }
0x1a: {  	s8 =	sadd.s32 $0xFFFFE003, lr  }
0x1b: {  	s9 =	sadd.s32 $0xFFFFFEF7, lr;
	s5 =	simm.s32 $0xFFFFFFFF;
	p2 =	slt.u32 s8, $0xFFFFF086  }
0x1c: {  	p1 =	slt.u32 s9, $0xF7A;
	s5 =	simm.s32 @!p2 $0x0  }
0x1d: {  	s5 =	simm.s32 @p1 $0x1;
	p0 =	seq.s32 s7, s2  }
0x1e: {  	s7 =	smul.u32 @!p0 $0xF7A, s2;
	p2 =	seq.s32 @!p0 s5, $0x0  }
0x1f: {  	s9 =	smul.u32 $0xF7A, s1;
	s8 =	simm.s32 @!p0 $0x1BF5;
	p2 =	por !p2, p0  }
0x20: {  	[sflag:s8] =	ssyncset.s32 @!p0 $0xFFFFF086;
	s6 =	sadd.s32 @!p0 s3, s7;
	s7 =	simm.s32 @!p0 $0x108  }
0x21: {  	s3 =	sadd.s32 s3, s9;
	s6 =	sadd.s32 @!p0 $0x88, s6;
	s7 =	simm.s32 @p2 $0x1082  }
0x22: {  	[simem:s7], [sflag:s8] =	dma.local @!p0 [hbm:s6], $0xF7A  }
0x23: {  	s9 =	sor.u32 $0xD0000000, s2;
	s6 =	simm.s32 $0x108;
	_ =	swait.ge @!p0 [sflag:s8], $0x0  }
0x24: {  	s3 =	sadd.s32 $0x88, s3;
	s6 =	simm.s32 @!p1 $0x1082;
	[sflag:s4] =	ssyncset.s32 $0xFFFFF086  }
0x25: {  	[simem:s6], [sflag:s4] =	dma.local [hbm:s3], $0xF7A  }
0x26: {  	[smem:$0x3F97] =	sst s1;
	(tag) =	ssettag s2;
	_ =	strace s9  }
0x27: {  	s1 =	sld [smem:$0x3FA7]  }
0x28: {  	s2 =	sld [smem:$0x3FA8]  }
0x29: {  	s4 =	sld [smem:$0x3FAA]  }
0x2a: {  	p0 =	seq.s32 s5, $0x0;
	s5 =	sld [smem:$0x3FAB]  }
0x2b: {  	s6 =	sld [smem:$0x3FAC]  }
0x2c: {  	s7 =	sld [smem:$0x3FAD]  }
0x2d: {  	s3 =	simm.s32 $0x108;
	s8 =	sld [smem:$0x3FAE]  }
0x2e: {  	s3 =	simm.s32 @!p0 $0x1082;
	s9 =	sld [smem:$0x3FAF]  }
0x2f: {  	lr =	sadd.s32 s0, s3;
	s0 =	sld [smem:$0x3FA6]  }
0x30: {  	s3 =	sld [smem:$0x3FA9]  }
0x31: {  	[smem:$0x3FB2] =	sst s10  }
0x32: {  	s10 =	sld [smem:$0x3FB0];
	_ =	sdelay $0x3  }
0x33: {  	p0 =	seq.s32 s10, $0x1;
	s10 =	sld [smem:$0x3FB2];
	_ =	sdelay $0x3  }
0x34: {  	[smem:$0x3FB2] =	sst s10  }
0x35: {  	s10 =	sld [smem:$0x3FB1];
	_ =	sdelay $0x3  }
0x36: {  	p1 =	seq.s32 s10, $0x1;
	s10 =	sld [smem:$0x3FB2];
	_ =	sdelay $0x3  }
0x37: {  	[smem:$0x3FB2] =	sst s10  }
0x38: {  	s10 =	sld [smem:$0x3FB3]  }
0x39: {  	_ = 	snop;
	(pc) =	sbr.ind lr, $3  }
0x3a: {  	_ = 	snop  }
0x3b: {  	_ = 	snop  }
0x3c: {  	p2 =	seq.s32 s10, $0x1;
	s10 =	sld [smem:$0x3FB2]  }
0x3d: {  	_ =	shalt  }
0x3e: {  	_ =	shalt  }
0x3f: {  	_ =	shalt  }
0x40: {  	_ =	shalt  }
0x41: {  	_ =	shalt  }
0x42: {  	_ =	shalt  }
0x43: {  	_ =	shalt  }
0x44: {  	_ =	shalt  }
0x45: {  	_ =	shalt  }
0x46: {  	_ =	shalt  }
0x47: {  	_ =	shalt  }
0x48: {  	_ =	shalt  }
0x49: {  	_ =	shalt  }
0x4a: {  	_ =	shalt  }
0x4b: {  	_ =	shalt  }
0x4c: {  	_ =	shalt  }
0x4d: {  	_ =	shalt  }
0x4e: {  	_ =	shalt  }
0x4f: {  	_ =	shalt  }
0x50: {  	_ =	shalt  }
0x51: {  	_ =	shalt  }
0x52: {  	_ =	shalt  }
0x53: {  	_ =	shalt  }
0x54: {  	_ =	shalt  }
0x55: {  	_ =	shalt  }
0x56: {  	_ =	shalt  }
0x57: {  	_ =	shalt  }
0x58: {  	_ =	shalt  }
0x59: {  	_ =	shalt  }
0x5a: {  	_ =	shalt  }
0x5b: {  	_ =	shalt  }
0x5c: {  	_ =	shalt  }
0x5d: {  	_ =	shalt  }
0x5e: {  	_ =	shalt  }
0x5f: {  	_ =	shalt  }
0x60: {  	_ =	shalt  }
0x61: {  	_ =	shalt  }
0x62: {  	_ =	shalt  }
0x63: {  	_ =	shalt  }
0x64: {  	_ =	shalt  }
0x65: {  	_ =	shalt  }
0x66: {  	_ =	shalt  }
0x67: {  	_ =	shalt  }
0x68: {  	_ =	shalt  }
0x69: {  	_ =	shalt  }
0x6a: {  	_ =	shalt  }
0x6b: {  	_ =	shalt  }
0x6c: {  	_ =	shalt  }
0x6d: {  	_ =	shalt  }
0x6e: {  	_ =	shalt  }
0x6f: {  	_ =	shalt  }
0x70: {  	_ =	shalt  }
0x71: {  	_ =	shalt  }
0x72: {  	_ =	shalt  }
0x73: {  	_ =	shalt  }
0x74: {  	_ =	shalt  }
0x75: {  	_ =	shalt  }
0x76: {  	_ =	shalt  }
0x77: {  	_ =	shalt  }
0x78: {  	_ =	shalt  }
0x79: {  	_ =	shalt  }
0x7a: {  	_ =	shalt  }
0x7b: {  	_ =	shalt  }
0x7c: {  	_ =	shalt  }
0x7d: {  	_ =	shalt  }
0x7e: {  	_ =	shalt  }
0x7f: {  	_ =	shalt  }
0x80: {  	_ =	shalt  }
0x81: {  	_ =	shalt  }
0x82: {  	_ =	shalt  }
0x83: {  	_ =	shalt  }
0x84: {  	_ =	shalt  }
0x85: {  	_ =	shalt  }
0x86: {  	_ =	shalt  }
0x87: {  	_ =	shalt  }
.Lfunc_end0:
.L_simem_size_0:
called_computation_lowered:
.L_overlay_start_0:
0x88: {  	s2 =	sld [smem:$0x3FD9]  }
0x89: {  	s3 =	sld [smem:$0x3FFE];
	_ =	sdelay $0x1  }
0x8a: {  	s1 =	srdreg.scid  }
0x8b: {  	s0 =	sand.u32 $0x1, s1  }
0x8c: {  	s16 =	sshll.u32 s0, $0xA;
	s2 =	sadd.s32 s3, s2  }
0x8d: {  	s2 =	sadd.s32 s2, s16  }
0x8e: {  	[smem:$0x3FBE] =	sst s2  }
0x8f: {  	_ = 	snop  }
0x90: {  	(tm) =	ssettm $0x1  }
0x91: {  	s17 =	sld [smem:$0x3FFB];
	_ =	sdelay $0x3  }
0x92: {  	_ =	strace s17  }
0x93: {  	s2 =	sld [smem:$0x3FFC];
	_ =	sdelay $0x3  }
0x94: {  	_ =	strace s2  }
0x95: {  	s2 =	sld [smem:$0x3FFD];
	_ =	sdelay $0x3  }
0x96: {  	_ =	strace s2  }
0x97: {  	_ =	strace $0x8FFFFFFF  }
0x98: {  	s18 =	sld [smem:$0x3FDB];
	_ =	sdelay $0x1  }
0x99: {  	s19 =	simm.s32 $_scs_section_size  }
0x9a: {  	s4 =	simm.s32 $_size__tile_overlayer_lowered;
	s5 =	simm.s32 $_tile_overlayer_lowered  }
0x9b: {  	s22 =	simm.s32 $0x1BFF;
	s21 =	sshll.u32 s5, $0x1;
	s2 =	sadd.s32 s19, s18  }
0x9c: {  	s6 =	simm.s32 $0x0;
	s20 =	sshll.u32 s4, $0x1;
	s4 =	sadd.s32 s21, s2  }
0x9d: {  	[timem:s6], [sflag:s22] =	dma.local [hbm:s4], s20  }
0x9e: {  	_ =	swait.ge [sflag:s22], s20  }
0x9f: {  	s3 =	ssub.s32 $0x0, s20;
	[sflag:s22] =	ssyncset.done $0x0  }
0xa0: {  	[sflag:s22] =	ssyncadd.s32 s3;
	_ =	sdelay $0x1  }
0xa1: {  	s23 =	simm.s32 $0x1B8B  }
0xa2: {  	_ =	swait.ge [sflag:s23], $0x1  }
0xa3: {  	[sflag:s23] =	ssyncset.done $0x0  }
0xa4: {  	s25 =	simm.s32 $0x1B8E;
	s24 =	sld [smem:$0x3FFE];
	[sflag:s23] =	ssyncadd.s32 $0xFFFFFFFF  }
0xa5: {  	s26 =	simm.s32 $execute0_lowered;
	[smem:$0x3FD2] =	sst s25  }
0xa6: {  	s4 =	sshll.u32 s26, $0x1;
	_ =	strace $0x80000046;
	[dreg:$0x1] =	wrdreg $0xFFFFFFFF  }
0xa7: {  	s28 =	simm.s32 $_size_execute0_lowered;
	s2 =	sadd.s32 s2, s4;
	[dreg:$0x0] =	wrdreg $0x0  }
0xa8: {  	s4 =	sshll.u32 s28, $0x1;
	[dreg:$0x2] =	wrdreg s2  }
0xa9: {  	[dreg:$0x3] =	wrdreg s4  }
0xaa: {  	[dreg:$0x4] =	wrdreg $0xC0  }
0xab: {  	_ =	task [dreg:s6], $0x5FFFF  }
0xac: {  	[dreg:$0x1] =	wrdreg $0xFFFFFFFF  }
0xad: {  	[dreg:$0x0] =	wrdreg $0x60  }
0xae: {  	[dreg:$0x2] =	wrdreg s24  }
0xaf: {  	[dreg:$0x3] =	wrdreg $0x0  }
0xb0: {  	[dreg:$0x4] =	wrdreg $0x9  }
0xb1: {  	_ =	task.clear_ibuf [dreg:s6], $0x5FFFF;
	_ =	strace $0x90000046  }
0xb2: {  	s29 =	simm.s32 $0x9;
	_ =	strace $0x80000048  }
0xb3: {  	_ =	swait.ge [sflag:s29], $0x1  }
0xb4: {  	[sflag:s29] =	ssyncadd.s32 $0xFFFFFFFF  }
0xb5: {  	_ =	strace $0x90000048  }
0xb6: {  	_ =	sfence  }
0xb7: {  	s30 =	sld [smem:$0x0];
	_ =	sdelay $0x2  }
0xb8: {  	s31 =	sshll.u32 s1, $0xD;
	s1 =	sshrl.u32 s1, $0x2  }
0xb9: {  	s3 =	sand.u32 $0x4000, s31;
	s1 =	sadd.s32 s1, s30  }
0xba: {  	s0 =	sor.u32 s3, s0;
	s1 =	sshll.u32 s1, $0x11  }
0xbb: {  	s0 =	sor.u32 s1, s0  }
0xbc: {  	s0 =	sadd.s32 $0x8F2B, s0  }
0xbd: {  	[sflag:s0] =	ssyncadd.remote.s32 $0x1  }
0xbe: {  	_ =	sfence.sel $0xFFFF  }
0xbf: {  	[dreg:$0x0] =	wrdreg $0xFFFFFFFF;
	(pc) =	sbr.abs _section_cstart, $3  }
0xc0: {  	[dreg:$0x1] =	wrdreg $0xFFFFFFFF  }
0xc1: {  	_ =	task.clear_ibuf [dreg:s6], $0x2FFFF;
	_ =	strace $0x9FFFFFFF  }
0xc2: {  	(tm) =	ssettm $0x7FFFFFFF  }
0xc3: {  	_ =	shalt  }
tec
execute0_lowered:
.L_overlay_start_1:
0x0: {  	(tag) =	ssettag $0x1  }
0x1: {  	s0 =	srdreg.scid  }
0x2: {  	s6 =	rddreg [dreg:$0x0];
	s11 =	stileid.u32  }
0x3: {  	s1 =	rddreg [dreg:$0x1];
	s2 =	simm.s32 $0x0;
	s17 =	simm.s32 $0x0  }
0x4: {  	s5 =	sand.u32 $0x1, s0;
	[smem:$0x7FF] =	sst s2;
	s7 =	smul.u32 $0x2700, s11  }
0x5: {  	s4 =	smul.u32 $0x4E000, s11;
	s12 =	sadd.s32 $0x56C00, s6;
	s29 =	sshll.u32 s11, $0x6  }
0x6: {  	s16 =	sadd.s32 $0x138000, s1;
	p0 =	sne.s32 s11, $0x0;
	s14 =	smul.u32 $0x138800, s5  }
0x7: {  	s0 =	sshll.u32 s5, $0x4;
	s10 =	ssub.s32 $0x2, s5;
	s15 =	smul.u32 $0x27100, s5  }
0x8: {  	s5 =	sor.u32 $0x1C01, s29;
	s3 =	sor.u32 s11, s0;
	s0 =	rddreg [dreg:$0x2]  }
0x9: {  	_ =	strace $0x80000047;
	s9 =	sadd.s32 s7, s6;
	s13 =	sshrl.u32 s10, $0x1  }
0xa: {  	s4 =	sshrl.u32 s4, $0x2;
	s3 =	smul.u32 $0x280, s3;
	s10 =	ssub.s32 s10, s13  }
0xb: {  	s28 =	sadd.s32 s4, s1;
	s4 =	sadd.s32 $0x2F200, s9;
	s30 =	sshrl.u32 s14, $0x3  }
0xc: {  	s31 =	sadd.s32 s7, s15;
	s13 =	sshrl.u32 @!p0 s16, $0x3;
	s14 =	simm.s32 $0x14D00  }
0xd: {  	s15 =	simm.s32 $0x13900;
	s16 =	simm.s32 $0x80;
	s9 =	sadd.s32 s12, s30  }
0xe: {  	s10 =	smax.u32 s10, $0x1;
	s11 =	sshrl.u32 s28, $0x3;
	s8 =	sadd.s32 s3, s6  }
0xf: {  	s3 =	sadd.s32 $0x56400, s6;
	s6 =	sadd.s32 $0x56200, s6;
	s9 =	sadd.s32 $0x27000, s9  }
0x10: {  	s7 =	sadd.s32 $0x2200, s8;
	s8 =	sadd.s32 s12, s31;
	s12 =	simm.s32 $0x1  }
.LBB2_1:
0x11: {  	[spmem:s11], [sflag:s5] =	dma.local [hbm:s4], $0x2700  }
0x12: {  	_ =	swait.ge [sflag:s12], $0x2700  }
0x13: {  	[sflag:s12] =	ssyncset.done $0x0  }
0x14: {  	s18 =	simm.s32 @!p0 $0x1;
	[sflag:s12] =	ssyncadd.s32 $0xFFFFD900  }
0x15: {  	[spmem:s13], [sflag:s5] =	dma.local @!p0 [hbm:s6], $0x200  }
0x16: {  	_ =	swait.ge @!p0 [sflag:s18], $0x200  }
0x17: {  	[sflag:s18] =	ssyncset.done @!p0 $0x0  }
0x18: {  	[sflag:s18] =	ssyncadd.s32 @!p0 $0xFFFFFE00  }
0x19: {  	[tilespmem:s14], [sflag:$0x1] =	stream.linear.gather [hbm4b:s3+s2], $0x4000, $0x38;
	[tilespmem:$0x18D00] =	vst v63  }
0x1a: {  	_ =	swait.ge [sflag:s12], $0x4000  }
0x1b: {  	[sflag:s12] =	ssyncset.done $0x0  }
0x1c: {  	[sflag:s12] =	ssyncadd.s32 $0xFFFFC000  }
0x1d: {  	[tilespmem:s15], [sflag:$0x1] =	stream.linear.gather [hbm4b:s7+s2], $0x1400, $0x38;
	[tilespmem:$0x18D00] =	vst v63  }
0x1e: {  	_ =	swait.ge [sflag:s12], $0x1400  }
0x1f: {  	[sflag:s12] =	ssyncset.done $0x0  }
0x20: {  	[sflag:s12] =	ssyncadd.s32 $0xFFFFEC00  }
0x21: {  	s31 =	simm.s32 $0x13900;
	[bflag:$0x0] =	sbarrier.arrive $0xFFFF  }
0x22: {  	[spmem:s1] =	stream.indirect.scatter.add.f32 [tilespmem:s14], [sflag:$0x1], $0x80, s31, s16, $0xb8;
	[tilespmem:$0x18D00] =	vst v63  }
0x23: {  	s18 =	simm.s32 $0x200;
	_ =	swait.ge [sflag:s12], $0x4000  }
.LBB2_2:
0x24: {  	s19 =	sshra.s32 s18, $0x2;
	[sflag:s12] =	ssyncset.done $0x0;
	p1 =	sne.s32 s18, $0x4E00  }
.Ltmp0:
0x25: {  	s19 =	sadd.s32 $0x13900, s19;
	[sflag:s12] =	ssyncadd.s32 $0xFFFFC000;
	(pc) =	sbr.rel @p1 .LBB2_2-.Ltmp0, $3  }
0x26: {  	[spmem:s1] =	stream.indirect.scatter.add.f32 [tilespmem:s14], [sflag:$0x1], $0x80, s19, s16, $0xb8;
	[tilespmem:$0x18D00] =	vst v63  }
0x27: {  	s18 =	sadd.s32 $0x200, s18;
	_ =	sdelay $0x1  }
0x28: {  	_ =	swait.ge [sflag:s12], $0x4000  }
0x29: {  	[sflag:s12] =	ssyncset.done $0x0  }
0x2a: {  	[sflag:s12] =	ssyncadd.s32 $0xFFFFC000  }
0x2b: {  	[bflag:$0x0] =	sbarrier.arrive $0xFFFF  }
0x2c: {  	[hbm:s8], [sflag:s5] =	dma.local [spmem:s11], $0x2700  }
0x2d: {  	s17 =	sadd.s32 $0x1, s17;
	_ =	swait.ge [sflag:s12], $0x2700  }
0x2e: {  	p1 =	sne.s32 s17, s10;
	[sflag:s12] =	ssyncset.done $0x0  }
.Ltmp1:
0x2f: {  	s18 =	simm.s32 @!p0 $0x1;
	[sflag:s12] =	ssyncadd.s32 $0xFFFFD900;
	(pc) =	sbr.rel @p1 .LBB2_1-.Ltmp1, $4  }
0x30: {  	[hbm:s9], [sflag:s5] =	dma.local @!p0 [spmem:s13], $0x100  }
0x31: {  	_ =	swait.ge @!p0 [sflag:s18], $0x100  }
0x32: {  	[sflag:s18] =	ssyncset.done @!p0 $0x0  }
0x33: {  	[sflag:s18] =	ssyncadd.s32 @!p0 $0xFFFFFF00  }
0x34: {  	_ =	sfence.sel $0x180000  }
0x35: {  	[bflag:$0x0] =	sbarrier.arrive $0xFFFF  }
0x36: {  	_ =	strace $0x90000047  }
0x37: {  	s0 =	sadd.s32 @!p0 $0x100000, s0;
	[bflag:$0x2] =	sbarrier.arrive $0xFFFF  }
0x38: {  	[sflag:s0] =	ssyncadd.tile.s32 @!p0 $0x1;
	_ =	shalt  }
.Lfunc_end2:
_tile_overlayer_lowered:
.L_overlay_start_2:
0x39: {  	(tag) =	ssettag $0x2  }
0x3a: {  	s0 =	rddreg [dreg:$0x0];
	s2 =	stileid.u32  }
0x3b: {  	s1 =	rddreg [dreg:$0x1];
	p0 =	sne.s32 s2, $0x0  }
0x3c: {  	s3 =	rddreg [dreg:$0x2];
	[bflag:$0x3] =	sbarrier.arrive $0xFFFF;
	s2 =	simm.s32 @!p0 $0x1C01  }
0x3d: {  	[timem:s3], [sflag:s2] =	dma.local @!p0 [hbm:s0], s1  }
0x3e: {  	s0 =	simm.s32 @!p0 $0x1  }
0x3f: {  	_ =	swait.ge @!p0 [sflag:s0], s1  }
0x40: {  	s1 =	ssub.s32 @!p0 $0x0, s1;
	[sflag:s0] =	ssyncset.done @!p0 $0x0  }
0x41: {  	[sflag:s0] =	ssyncadd.s32 @!p0 s1  }
0x42: {  	[bflag:$0x3] =	sbarrier.arrive $0xFFFF  }
0x43: {  	_ =	shalt  }

</sc_bundles>
